<compile_context>
chip_gen: v7x
topology: tpu7x:2x2x1
jax: 0.10.2.dev20260603
libtpu: 0.0.44.dev20260713+nightly
codegen_flags: <defaults>
</compile_context>

<pallas_src>
import jax
import jax.numpy as jnp
from jax.experimental import pallas as pl
from jax.experimental.pallas import tpu as pltpu

B, N = 4, 2048
INPUT_DIM = 1024
PROJ = 64
HEADS = 16
EMBED = HEADS * PROJ
NB_CLASSES = 16
NB_SUB = 8
FEAT_IN = (HEADS + 1) * PROJ

TOKENS = B * N
TBLK = 512
QBLK = 512
EPS = 1e-5

_HI = jax.lax.Precision.HIGHEST
_DEF = jax.lax.Precision.DEFAULT


def _dot(a, b, precision=_DEF):
    return jax.lax.dot_general(a, b, (((a.ndim - 1,), (0,)), ((), ())),
                               precision=precision,
                               preferred_element_type=jnp.float32)


def _proj_kernel(h_ref, Wp_ref, bp_ref, Ws_ref, bs_ref, Wq_ref, bq_ref,
                 Wk_ref, bk_ref, Wv_ref, bv_ref,
                 q_ref, k_ref, v_ref, sp_ref):
    hb = h_ref[...]
    pp = jax.nn.gelu(_dot(hb, Wp_ref[...]) + bp_ref[...])
    sp = jax.nn.gelu(_dot(hb, Ws_ref[...]) + bs_ref[...])
    sp_ref[...] = sp
    q_ref[...] = _dot(pp, Wq_ref[...]) + bq_ref[...]
    k_ref[...] = _dot(sp, Wk_ref[...]) + bk_ref[...]
    v_ref[...] = _dot(sp, Wv_ref[...]) + bv_ref[...]


def _attn_kernel(q_ref, k_ref, v_ref, o_ref):
    scale = PROJ ** (-0.5)
    qb = q_ref[0]
    kb = k_ref[0]
    s = jax.lax.dot_general(qb, kb, (((1,), (1,)), ((), ())),
                            precision=_DEF,
                            preferred_element_type=jnp.float32) * scale
    m = jnp.max(s, axis=-1, keepdims=True)
    e = jnp.exp(s - m)
    p = e / jnp.sum(e, axis=-1, keepdims=True)
    o_ref[0] = _dot(p, v_ref[0])


def _tail_kernel(attn_ref, sp_ref, Wo_ref, bo_ref, Wfs_s_ref, Wfs_i_ref,
                 bfs_ref, Wpc_ref, bpc_ref, Wc2_ref, bc2_ref,
                 pl_ref, cl_ref, feat_ref):
    spb = sp_ref[...]
    integrated = _dot(attn_ref[...], Wo_ref[...]) + bo_ref[...]
    mu = (jnp.sum(spb, axis=-1, keepdims=True)
          + jnp.sum(integrated, axis=-1, keepdims=True)) / FEAT_IN
    d1 = spb - mu
    d2 = integrated - mu
    var = (jnp.sum(d1 * d1, axis=-1, keepdims=True)
           + jnp.sum(d2 * d2, axis=-1, keepdims=True)) / FEAT_IN
    denom = jnp.sqrt(var + EPS)
    feat = _dot(d1 / denom, Wfs_s_ref[...]) + _dot(d2 / denom, Wfs_i_ref[...])
    feat = feat + bfs_ref[...]
    feat_ref[...] = feat
    plp = _dot(feat, Wpc_ref[...]) + bpc_ref[...]
    pmu = jnp.mean(plp, axis=-1, keepdims=True)
    pd = plp - pmu
    pvar = jnp.mean(pd * pd, axis=-1, keepdims=True)
    plogits = pd / jnp.sqrt(pvar + EPS)
    pl_ref[...] = plogits
    pm = jnp.max(plogits, axis=-1, keepdims=True)
    pe = jnp.exp(plogits - pm)
    probs = pe / jnp.sum(pe, axis=-1, keepdims=True)
    prmax = jnp.max(probs, axis=-1, keepdims=True)
    idx16 = jax.lax.broadcasted_iota(jnp.int32, probs.shape, 1)
    y = jnp.min(jnp.where(probs == prmax, idx16, NB_CLASSES),
                axis=-1, keepdims=True)
    child_all = _dot(spb, Wc2_ref[...]) + bc2_ref[...]
    lane = jax.lax.broadcasted_iota(jnp.int32, child_all.shape, 1)
    masked = jnp.where((lane // NB_SUB) == y, child_all, 0.0)
    sel_r = jax.lax.broadcasted_iota(jnp.int32, (NB_CLASSES * NB_SUB, NB_SUB), 0)
    sel_c = jax.lax.broadcasted_iota(jnp.int32, (NB_CLASSES * NB_SUB, NB_SUB), 1)
    sel = (sel_r % NB_SUB == sel_c).astype(jnp.float32)
    child = _dot(masked, sel, precision=_HI)
    cmu = jnp.mean(child, axis=-1, keepdims=True)
    cd = child - cmu
    cvar = jnp.mean(cd * cd, axis=-1, keepdims=True)
    cl_ref[...] = cd / jnp.sqrt(cvar + EPS)


def kernel(h, Wp, bp, Ws, bs, Wq, bq, Wk, bk, Wv, bv, Wo, bo, Wfs, bfs,
           Wpc, bpc, Wc, bc):
    h2 = h.reshape(TOKENS, INPUT_DIM)
    bp2 = bp.reshape(1, EMBED)
    bs2 = bs.reshape(1, PROJ)
    bq2 = bq.reshape(1, EMBED)
    bk2 = bk.reshape(1, EMBED)
    bv2 = bv.reshape(1, EMBED)
    bo2 = bo.reshape(1, EMBED)
    bfs2 = bfs.reshape(1, INPUT_DIM)
    bpc2 = bpc.reshape(1, NB_CLASSES)
    Wfs_s = Wfs[:PROJ]
    Wfs_i = Wfs[PROJ:]
    Wc2 = Wc.transpose(1, 0, 2).reshape(PROJ, NB_CLASSES * NB_SUB)
    bc2 = bc.reshape(1, NB_CLASSES * NB_SUB)

    nblk = TOKENS // TBLK
    f32 = jnp.float32

    def full(shape):
        return pl.BlockSpec(shape, lambda i: (0, 0))

    q, k, v, sp = pl.pallas_call(
        _proj_kernel,
        grid=(nblk,),
        in_specs=[
            pl.BlockSpec((TBLK, INPUT_DIM), lambda i: (i, 0)),
            full((INPUT_DIM, EMBED)), full((1, EMBED)),
            full((INPUT_DIM, PROJ)), full((1, PROJ)),
            full((EMBED, EMBED)), full((1, EMBED)),
            full((PROJ, EMBED)), full((1, EMBED)),
            full((PROJ, EMBED)), full((1, EMBED)),
        ],
        out_specs=[
            pl.BlockSpec((TBLK, EMBED), lambda i: (i, 0)),
            pl.BlockSpec((TBLK, EMBED), lambda i: (i, 0)),
            pl.BlockSpec((TBLK, EMBED), lambda i: (i, 0)),
            pl.BlockSpec((TBLK, PROJ), lambda i: (i, 0)),
        ],
        out_shape=[
            jax.ShapeDtypeStruct((TOKENS, EMBED), f32),
            jax.ShapeDtypeStruct((TOKENS, EMBED), f32),
            jax.ShapeDtypeStruct((TOKENS, EMBED), f32),
            jax.ShapeDtypeStruct((TOKENS, PROJ), f32),
        ],
        compiler_params=pltpu.CompilerParams(
            dimension_semantics=("arbitrary",)),
    )(h2, Wp, bp2, Ws, bs2, Wq, bq2, Wk, bk2, Wv, bv2)

    q3 = q.reshape(TOKENS, HEADS, PROJ).transpose(1, 0, 2)
    k3 = k.reshape(TOKENS, HEADS, PROJ).transpose(1, 0, 2)
    v3 = v.reshape(TOKENS, HEADS, PROJ).transpose(1, 0, 2)

    nq = N // QBLK
    attn3 = pl.pallas_call(
        _attn_kernel,
        grid=(B, HEADS, nq),
        in_specs=[
            pl.BlockSpec((1, QBLK, PROJ),
                         lambda b, hh, qq: (hh, b * nq + qq, 0)),
            pl.BlockSpec((1, N, PROJ), lambda b, hh, qq: (hh, b, 0)),
            pl.BlockSpec((1, N, PROJ), lambda b, hh, qq: (hh, b, 0)),
        ],
        out_specs=pl.BlockSpec((1, QBLK, PROJ),
                               lambda b, hh, qq: (hh, b * nq + qq, 0)),
        out_shape=jax.ShapeDtypeStruct((HEADS, TOKENS, PROJ), f32),
        compiler_params=pltpu.CompilerParams(
            dimension_semantics=("arbitrary", "arbitrary", "arbitrary")),
    )(q3, k3, v3)
    attn_out = attn3.transpose(1, 0, 2).reshape(TOKENS, EMBED)

    parent_logits, child_logits, feat = pl.pallas_call(
        _tail_kernel,
        grid=(nblk,),
        in_specs=[
            pl.BlockSpec((TBLK, EMBED), lambda i: (i, 0)),
            pl.BlockSpec((TBLK, PROJ), lambda i: (i, 0)),
            full((EMBED, EMBED)), full((1, EMBED)),
            full((PROJ, INPUT_DIM)), full((EMBED, INPUT_DIM)),
            full((1, INPUT_DIM)),
            full((INPUT_DIM, NB_CLASSES)), full((1, NB_CLASSES)),
            full((PROJ, NB_CLASSES * NB_SUB)), full((1, NB_CLASSES * NB_SUB)),
        ],
        out_specs=[
            pl.BlockSpec((TBLK, NB_CLASSES), lambda i: (i, 0)),
            pl.BlockSpec((TBLK, NB_SUB), lambda i: (i, 0)),
            pl.BlockSpec((TBLK, INPUT_DIM), lambda i: (i, 0)),
        ],
        out_shape=[
            jax.ShapeDtypeStruct((TOKENS, NB_CLASSES), f32),
            jax.ShapeDtypeStruct((TOKENS, NB_SUB), f32),
            jax.ShapeDtypeStruct((TOKENS, INPUT_DIM), f32),
        ],
        compiler_params=pltpu.CompilerParams(
            dimension_semantics=("arbitrary",)),
    )(attn_out, sp, Wo, bo2, Wfs_s, Wfs_i, bfs2, Wpc, bpc2, Wc2, bc2)

    return (parent_logits.reshape(B, N, NB_CLASSES),
            child_logits.reshape(B, N, NB_SUB),
            feat.reshape(B, N, INPUT_DIM),
            sp.reshape(B, N, PROJ))

# --- scband reference (transcript-rebuilt; emitter-appended) ---
"""Pipeline reference for scband-multi-head-attention-hierarchical-cls-65300682768913 (READ-ONLY COPY).

The authoritative reference and input builder live on the scoring server;
editing this copy changes nothing except your own understanding.
"""

import jax, jax.numpy as jnp
import numpy as np

B, N = 4, 2048
INPUT_DIM = 1024
PROJ = 64
HEADS = 16
EMBED = HEADS * PROJ  # 1024, matches INPUT_DIM
NB_CLASSES = 16
NB_SUB = 8


def layer_norm(x, eps=1e-5):
    mu = jnp.mean(x, axis=-1, keepdims=True)
    var = jnp.var(x, axis=-1, keepdims=True)
    return (x - mu) / jnp.sqrt(var + eps)


def setup_inputs(seed: int = 0):
    key = jax.random.key(seed)
    ks = jax.random.split(key, 24)
    sd = 0.02
    cls_sd = 2e-5  # trunc_normal_(std=2e-5) in original classifiers/projections
    return {
        "h": jax.random.normal(ks[0], (B, N, INPUT_DIM), dtype=jnp.float32),
        "Wp": jax.random.normal(ks[1], (INPUT_DIM, EMBED), dtype=jnp.float32) * cls_sd,
        "bp": jnp.zeros((EMBED,), dtype=jnp.float32),
        "Ws": jax.random.normal(ks[2], (INPUT_DIM, PROJ), dtype=jnp.float32) * cls_sd,
        "bs": jnp.zeros((PROJ,), dtype=jnp.float32),
        "Wq": jax.random.normal(ks[3], (EMBED, EMBED), dtype=jnp.float32) * sd,
        "bq": jnp.zeros((EMBED,), dtype=jnp.float32),
        "Wk": jax.random.normal(ks[4], (PROJ, EMBED), dtype=jnp.float32) * sd,
        "bk": jnp.zeros((EMBED,), dtype=jnp.float32),
        "Wv": jax.random.normal(ks[5], (PROJ, EMBED), dtype=jnp.float32) * sd,
        "bv": jnp.zeros((EMBED,), dtype=jnp.float32),
        "Wo": jax.random.normal(ks[6], (EMBED, EMBED), dtype=jnp.float32) * sd,
        "bo": jnp.zeros((EMBED,), dtype=jnp.float32),
        "Wfs": jax.random.normal(ks[7], ((HEADS + 1) * PROJ, INPUT_DIM), dtype=jnp.float32) * sd,
        "bfs": jnp.zeros((INPUT_DIM,), dtype=jnp.float32),
        "Wpc": jax.random.normal(ks[8], (INPUT_DIM, NB_CLASSES), dtype=jnp.float32) * cls_sd,
        "bpc": jnp.zeros((NB_CLASSES,), dtype=jnp.float32),
        "Wc": jax.random.normal(ks[9], (NB_CLASSES, PROJ, NB_SUB), dtype=jnp.float32) * cls_sd,
        "bc": jnp.zeros((NB_CLASSES, NB_SUB), dtype=jnp.float32),
    }


def reference(h, Wp, bp, Ws, bs, Wq, bq, Wk, bk, Wv, bv, Wo, bo, Wfs, bfs, Wpc, bpc, Wc, bc):
    Bh, Nh, _ = h.shape
    scale = PROJ ** (-0.5)
    # projections + GELU
    parent_proj_embed = jax.nn.gelu(h @ Wp + bp)            # [B, N, EMBED]
    subclass_proj_embed = jax.nn.gelu(h @ Ws + bs)          # [B, N, PROJ]
    # multi-head cross attention: query from parent proj, key/value from subclass proj
    Q = (parent_proj_embed @ Wq + bq).reshape(Bh, Nh, HEADS, PROJ).transpose(0, 2, 1, 3)
    K = (subclass_proj_embed @ Wk + bk).reshape(Bh, Nh, HEADS, PROJ).transpose(0, 2, 1, 3)
    V = (subclass_proj_embed @ Wv + bv).reshape(Bh, Nh, HEADS, PROJ).transpose(0, 2, 1, 3)
    attn = jax.nn.softmax(jnp.einsum('bhqd,bhkd->bhqk', Q, K) * scale, axis=-1)
    attn_out = jnp.einsum('bhqk,bhkd->bhqd', attn, V).transpose(0, 2, 1, 3).reshape(Bh, Nh, EMBED)
    integrated = attn_out @ Wo + bo                          # [B, N, EMBED]
    # feature fusion + selection
    feat = jnp.concatenate([subclass_proj_embed, integrated], axis=-1)  # [B, N, (H+1)*PROJ]
    feat = layer_norm(feat)
    feat = feat @ Wfs + bfs                                  # [B, N, INPUT_DIM]
    # parent classifier (with layer norm on logits, per ParentClassifier)
    parent_logits = layer_norm(feat @ Wpc + bpc)             # [B, N, NB_CLASSES]
    parent_probs = jax.nn.softmax(parent_logits, axis=-1)
    y_hat = jnp.argmax(parent_probs, axis=-1)                # [B, N] routing decision
    # MoE-style routing: gather per-token child classifier by parent prediction
    Wsel = jnp.take(Wc, y_hat, axis=0)                       # [B, N, PROJ, NB_SUB]
    bsel = jnp.take(bc, y_hat, axis=0)                       # [B, N, NB_SUB]
    child_logits = jnp.einsum('bnp,bnps->bns', subclass_proj_embed, Wsel) + bsel
    child_logits = layer_norm(child_logits)                  # [B, N, NB_SUB]
    return parent_logits, child_logits, feat, subclass_proj_embed

if __name__ == "__main__":
    import jax
    _d = setup_inputs()
    print(jax.jit(kernel)(*tuple(_d.values())))

</pallas_src>

<mosaic_0001>
module attributes {stable_mosaic.version = 14 : i64} {
  func.func @_attn_kernel(%arg0: i32, %arg1: i32, %arg2: i32, %arg3: memref<1x512x64xf32, #tpu.memory_space<vmem>>, %arg4: memref<1x2048x64xf32, #tpu.memory_space<vmem>>, %arg5: memref<1x2048x64xf32, #tpu.memory_space<vmem>>, %arg6: memref<1x512x64xf32, #tpu.memory_space<vmem>>) attributes {dimension_semantics = [#tpu.dimension_semantics<arbitrary>, #tpu.dimension_semantics<arbitrary>, #tpu.dimension_semantics<arbitrary>], iteration_bounds = array<i64: 4, 16, 4>, scalar_prefetch = 0 : i64, scratch_operands = 0 : i64, tpu.core_type = #tpu.core_type<tc>, window_params = [{transform_indices = @transform_0, window_bounds = array<i64: 1, 512, 64>}, {transform_indices = @transform_1, window_bounds = array<i64: 1, 2048, 64>}, {transform_indices = @transform_2, window_bounds = array<i64: 1, 2048, 64>}, {transform_indices = @transform_3, window_bounds = array<i64: 1, 512, 64>}]} {
    %get3A = arith.constant 0 : index
    %get3A_0 = arith.constant 0 : index
    %get3A_1 = arith.constant 0 : index
    %get3A_2 = vector.load %arg3[%get3A, %get3A_0, %get3A_1] : memref<1x512x64xf32, #tpu.memory_space<vmem>>, vector<1x512x64xf32>
    %get3A_3 = vector.shape_cast %get3A_2 : vector<1x512x64xf32> to vector<512x64xf32>
    %get3A_4 = arith.constant 0 : index
    %get3A_5 = arith.constant 0 : index
    %get3A_6 = arith.constant 0 : index
    %get3A_7 = vector.load %arg4[%get3A_4, %get3A_5, %get3A_6] : memref<1x2048x64xf32, #tpu.memory_space<vmem>>, vector<1x2048x64xf32>
    %get3A_8 = vector.shape_cast %get3A_7 : vector<1x2048x64xf32> to vector<2048x64xf32>
    %dot_general3A = arith.constant dense<0.000000e+00> : vector<512x2048xf32>
    %dot_general3A_9 = tpu.matmul %get3A_3, %get3A_8, %dot_general3A {dimension_numbers = #tpu.dot_dimension_numbers<[1], [1], [0], [0], [0, 0, 1, 0], [], []>, transpose_lhs_hint = false} : vector<512x64xf32>, vector<2048x64xf32>, vector<512x2048xf32> -> vector<512x2048xf32>
    %mul3A = arith.constant 1.250000e-01 : f32
    %mul3A_10 = vector.broadcast %mul3A : f32 to vector<512x2048xf32>
    %mul3A_11 = arith.mulf %dot_general3A_9, %mul3A_10 : vector<512x2048xf32>
    %reduce_max3A = arith.constant dense<0xFF800000> : vector<512xf32>
    %reduce_max3A_12 = vector.multi_reduction <maximumf>, %mul3A_11, %reduce_max3A [1] : vector<512x2048xf32> to vector<512xf32>
    %broadcast_in_dim3A = vector.shape_cast %reduce_max3A_12 : vector<512xf32> to vector<512x1xf32>
    %sub3A = vector.broadcast %broadcast_in_dim3A : vector<512x1xf32> to vector<512x2048xf32>
    %sub3A_13 = arith.subf %mul3A_11, %sub3A : vector<512x2048xf32>
    %exp3A = math.exp %sub3A_13 : vector<512x2048xf32>
    %reduce_sum3A = arith.constant dense<0.000000e+00> : vector<512xf32>
    %reduce_sum3A_14 = vector.multi_reduction <add>, %exp3A, %reduce_sum3A [1] : vector<512x2048xf32> to vector<512xf32>
    %broadcast_in_dim3A_15 = vector.shape_cast %reduce_sum3A_14 : vector<512xf32> to vector<512x1xf32>
    %div3A = vector.broadcast %broadcast_in_dim3A_15 : vector<512x1xf32> to vector<512x2048xf32>
    %div3A_16 = arith.divf %exp3A, %div3A : vector<512x2048xf32>
    %get3A_17 = arith.constant 0 : index
    %get3A_18 = arith.constant 0 : index
    %get3A_19 = arith.constant 0 : index
    %get3A_20 = vector.load %arg5[%get3A_17, %get3A_18, %get3A_19] : memref<1x2048x64xf32, #tpu.memory_space<vmem>>, vector<1x2048x64xf32>
    %get3A_21 = vector.shape_cast %get3A_20 : vector<1x2048x64xf32> to vector<2048x64xf32>
    %dot_general3A_22 = arith.constant dense<0.000000e+00> : vector<512x64xf32>
    %dot_general3A_23 = tpu.matmul %div3A_16, %get3A_21, %dot_general3A_22 {dimension_numbers = #tpu.dot_dimension_numbers<[1], [0], [0], [1], [0, 0, 1, 1], [], []>, transpose_lhs_hint = false} : vector<512x2048xf32>, vector<2048x64xf32>, vector<512x64xf32> -> vector<512x64xf32>
    %swap3A = arith.constant 0 : index
    %swap3A_24 = arith.constant 0 : index
    %swap3A_25 = arith.constant 0 : index
    %swap3A_26 = vector.load %arg6[%swap3A, %swap3A_24, %swap3A_25] : memref<1x512x64xf32, #tpu.memory_space<vmem>>, vector<1x512x64xf32>
    %swap3A_27 = vector.shape_cast %swap3A_26 : vector<1x512x64xf32> to vector<512x64xf32>
    %swap3A_28 = vector.shape_cast %dot_general3A_23 : vector<512x64xf32> to vector<1x512x64xf32>
    tpu.vector_store %arg6[%swap3A, %swap3A_24, %swap3A_25], %swap3A_28 {strides = array<i32>} : memref<1x512x64xf32, #tpu.memory_space<vmem>>, vector<1x512x64xf32>,
    return
  }
  func.func @transform_0(%arg0: i32, %arg1: i32, %arg2: i32) -> (i32, i32, i32) {
    %mul3A = arith.constant 4 : i32
    %mul3A_0 = arith.muli %arg0, %mul3A : i32
    %add3A = arith.addi %mul3A_0, %arg2 : i32
    %c0_i32 = arith.constant 0 : i32
    %c0_i32_1 = arith.constant 0 : i32
    return %arg1, %add3A, %c0_i32 : i32, i32, i32
  }
  func.func @transform_1(%arg0: i32, %arg1: i32, %arg2: i32) -> (i32, i32, i32) {
    %c0_i32 = arith.constant 0 : i32
    %c0_i32_0 = arith.constant 0 : i32
    return %arg1, %arg0, %c0_i32 : i32, i32, i32
  }
  func.func @transform_2(%arg0: i32, %arg1: i32, %arg2: i32) -> (i32, i32, i32) {
    %c0_i32 = arith.constant 0 : i32
    %c0_i32_0 = arith.constant 0 : i32
    return %arg1, %arg0, %c0_i32 : i32, i32, i32
  }
  func.func @transform_3(%arg0: i32, %arg1: i32, %arg2: i32) -> (i32, i32, i32) {
    %mul3A = arith.constant 4 : i32
    %mul3A_0 = arith.muli %arg0, %mul3A : i32
    %add3A = arith.addi %mul3A_0, %arg2 : i32
    %c0_i32 = arith.constant 0 : i32
    %c0_i32_1 = arith.constant 0 : i32
    return %arg1, %add3A, %c0_i32 : i32, i32, i32
  }
}

module attributes {stable_mosaic.version = 14 : i64} {
  func.func @_proj_kernel(%arg0: i32, %arg1: memref<512x1024xf32, #tpu.memory_space<vmem>>, %arg2: memref<1024x1024xf32, #tpu.memory_space<vmem>>, %arg3: memref<1x1024xf32, #tpu.memory_space<vmem>>, %arg4: memref<1024x64xf32, #tpu.memory_space<vmem>>, %arg5: memref<1x64xf32, #tpu.memory_space<vmem>>, %arg6: memref<1024x1024xf32, #tpu.memory_space<vmem>>, %arg7: memref<1x1024xf32, #tpu.memory_space<vmem>>, %arg8: memref<64x1024xf32, #tpu.memory_space<vmem>>, %arg9: memref<1x1024xf32, #tpu.memory_space<vmem>>, %arg10: memref<64x1024xf32, #tpu.memory_space<vmem>>, %arg11: memref<1x1024xf32, #tpu.memory_space<vmem>>, %arg12: memref<512x1024xf32, #tpu.memory_space<vmem>>, %arg13: memref<512x1024xf32, #tpu.memory_space<vmem>>, %arg14: memref<512x1024xf32, #tpu.memory_space<vmem>>, %arg15: memref<512x64xf32, #tpu.memory_space<vmem>>) attributes {dimension_semantics = [#tpu.dimension_semantics<arbitrary>], iteration_bounds = array<i64: 16>, scalar_prefetch = 0 : i64, scratch_operands = 0 : i64, tpu.core_type = #tpu.core_type<tc>, window_params = [{transform_indices = @transform_0, window_bounds = array<i64: 512, 1024>}, {pipeline_mode = #tpu.pipeline_mode<synchronous>, transform_indices = @transform_1, window_bounds = array<i64: 1024, 1024>}, {pipeline_mode = #tpu.pipeline_mode<synchronous>, transform_indices = @transform_2, window_bounds = array<i64: 1, 1024>}, {pipeline_mode = #tpu.pipeline_mode<synchronous>, transform_indices = @transform_3, window_bounds = array<i64: 1024, 64>}, {pipeline_mode = #tpu.pipeline_mode<synchronous>, transform_indices = @transform_4, window_bounds = array<i64: 1, 64>}, {pipeline_mode = #tpu.pipeline_mode<synchronous>, transform_indices = @transform_5, window_bounds = array<i64: 1024, 1024>}, {pipeline_mode = #tpu.pipeline_mode<synchronous>, transform_indices = @transform_6, window_bounds = array<i64: 1, 1024>}, {pipeline_mode = #tpu.pipeline_mode<synchronous>, transform_indices = @transform_7, window_bounds = array<i64: 64, 1024>}, {pipeline_mode = #tpu.pipeline_mode<synchronous>, transform_indices = @transform_8, window_bounds = array<i64: 1, 1024>}, {pipeline_mode = #tpu.pipeline_mode<synchronous>, transform_indices = @transform_9, window_bounds = array<i64: 64, 1024>}, {pipeline_mode = #tpu.pipeline_mode<synchronous>, transform_indices = @transform_10, window_bounds = array<i64: 1, 1024>}, {transform_indices = @transform_11, window_bounds = array<i64: 512, 1024>}, {transform_indices = @transform_12, window_bounds = array<i64: 512, 1024>}, {transform_indices = @transform_13, window_bounds = array<i64: 512, 1024>}, {transform_indices = @transform_14, window_bounds = array<i64: 512, 64>}]} {
    %get3A = arith.constant 0 : index
    %get3A_0 = arith.constant 0 : index
    %get3A_1 = vector.load %arg1[%get3A, %get3A_0] : memref<512x1024xf32, #tpu.memory_space<vmem>>, vector<512x1024xf32>
    %get3A_2 = arith.constant 0 : index
    %get3A_3 = arith.constant 0 : index
    %get3A_4 = vector.load %arg2[%get3A_2, %get3A_3] : memref<1024x1024xf32, #tpu.memory_space<vmem>>, vector<1024x1024xf32>
    %dot_general3A = arith.constant dense<0.000000e+00> : vector<512x1024xf32>
    %dot_general3A_5 = tpu.matmul %get3A_1, %get3A_4, %dot_general3A {dimension_numbers = #tpu.dot_dimension_numbers<[1], [0], [0], [1], [0, 0, 1, 1], [], []>, transpose_lhs_hint = false} : vector<512x1024xf32>, vector<1024x1024xf32>, vector<512x1024xf32> -> vector<512x1024xf32>
    %get3A_6 = arith.constant 0 : index
    %get3A_7 = arith.constant 0 : index
    %get3A_8 = vector.load %arg3[%get3A_6, %get3A_7] : memref<1x1024xf32, #tpu.memory_space<vmem>>, vector<1x1024xf32>
    %add3A = vector.broadcast %get3A_8 : vector<1x1024xf32> to vector<512x1024xf32>
    %add3A_9 = arith.addf %dot_general3A_5, %add3A : vector<512x1024xf32>
    %integer_pow3A = arith.mulf %add3A_9, %add3A_9 : vector<512x1024xf32>
    %integer_pow3A_10 = arith.mulf %add3A_9, %integer_pow3A : vector<512x1024xf32>
    %mul3A = arith.constant 4.471500e-02 : f32
    %mul3A_11 = vector.broadcast %mul3A : f32 to vector<512x1024xf32>
    %mul3A_12 = arith.mulf %mul3A_11, %integer_pow3A_10 : vector<512x1024xf32>
    %add3A_13 = arith.addf %add3A_9, %mul3A_12 : vector<512x1024xf32>
    %mul3A_14 = arith.constant 0.797884583 : f32
    %mul3A_15 = vector.broadcast %mul3A_14 : f32 to vector<512x1024xf32>
    %mul3A_16 = arith.mulf %mul3A_15, %add3A_13 : vector<512x1024xf32>
    %tanh3A = math.tanh %mul3A_16 : vector<512x1024xf32>
    %add3A_17 = arith.constant 1.000000e+00 : f32
    %add3A_18 = vector.broadcast %add3A_17 : f32 to vector<512x1024xf32>
    %add3A_19 = arith.addf %add3A_18, %tanh3A : vector<512x1024xf32>
    %mul3A_20 = arith.constant 5.000000e-01 : f32
    %mul3A_21 = vector.broadcast %mul3A_20 : f32 to vector<512x1024xf32>
    %mul3A_22 = arith.mulf %mul3A_21, %add3A_19 : vector<512x1024xf32>
    %mul3A_23 = arith.mulf %add3A_9, %mul3A_22 : vector<512x1024xf32>
    %get3A_24 = arith.constant 0 : index
    %get3A_25 = arith.constant 0 : index
    %get3A_26 = vector.load %arg4[%get3A_24, %get3A_25] : memref<1024x64xf32, #tpu.memory_space<vmem>>, vector<1024x64xf32>
    %dot_general3A_27 = arith.constant dense<0.000000e+00> : vector<512x64xf32>
    %dot_general3A_28 = tpu.matmul %get3A_1, %get3A_26, %dot_general3A_27 {dimension_numbers = #tpu.dot_dimension_numbers<[1], [0], [0], [1], [0, 0, 1, 1], [], []>, transpose_lhs_hint = false} : vector<512x1024xf32>, vector<1024x64xf32>, vector<512x64xf32> -> vector<512x64xf32>
    %get3A_29 = arith.constant 0 : index
    %get3A_30 = arith.constant 0 : index
    %get3A_31 = vector.load %arg5[%get3A_29, %get3A_30] : memref<1x64xf32, #tpu.memory_space<vmem>>, vector<1x64xf32>
    %add3A_32 = vector.broadcast %get3A_31 : vector<1x64xf32> to vector<512x64xf32>
    %add3A_33 = arith.addf %dot_general3A_28, %add3A_32 : vector<512x64xf32>
    %integer_pow3A_34 = arith.mulf %add3A_33, %add3A_33 : vector<512x64xf32>
    %integer_pow3A_35 = arith.mulf %add3A_33, %integer_pow3A_34 : vector<512x64xf32>
    %mul3A_36 = arith.constant 4.471500e-02 : f32
    %mul3A_37 = vector.broadcast %mul3A_36 : f32 to vector<512x64xf32>
    %mul3A_38 = arith.mulf %mul3A_37, %integer_pow3A_35 : vector<512x64xf32>
    %add3A_39 = arith.addf %add3A_33, %mul3A_38 : vector<512x64xf32>
    %mul3A_40 = arith.constant 0.797884583 : f32
    %mul3A_41 = vector.broadcast %mul3A_40 : f32 to vector<512x64xf32>
    %mul3A_42 = arith.mulf %mul3A_41, %add3A_39 : vector<512x64xf32>
    %tanh3A_43 = math.tanh %mul3A_42 : vector<512x64xf32>
    %add3A_44 = arith.constant 1.000000e+00 : f32
    %add3A_45 = vector.broadcast %add3A_44 : f32 to vector<512x64xf32>
    %add3A_46 = arith.addf %add3A_45, %tanh3A_43 : vector<512x64xf32>
    %mul3A_47 = arith.constant 5.000000e-01 : f32
    %mul3A_48 = vector.broadcast %mul3A_47 : f32 to vector<512x64xf32>
    %mul3A_49 = arith.mulf %mul3A_48, %add3A_46 : vector<512x64xf32>
    %mul3A_50 = arith.mulf %add3A_33, %mul3A_49 : vector<512x64xf32>
    %swap3A = arith.constant 0 : index
    %swap3A_51 = arith.constant 0 : index
    %swap3A_52 = vector.load %arg15[%swap3A, %swap3A_51] : memref<512x64xf32, #tpu.memory_space<vmem>>, vector<512x64xf32>
    tpu.vector_store %arg15[%swap3A, %swap3A_51], %mul3A_50 {strides = array<i32>} : memref<512x64xf32, #tpu.memory_space<vmem>>, vector<512x64xf32>,
    %get3A_53 = arith.constant 0 : index
    %get3A_54 = arith.constant 0 : index
    %get3A_55 = vector.load %arg6[%get3A_53, %get3A_54] : memref<1024x1024xf32, #tpu.memory_space<vmem>>, vector<1024x1024xf32>
    %dot_general3A_56 = arith.constant dense<0.000000e+00> : vector<512x1024xf32>
    %dot_general3A_57 = tpu.matmul %mul3A_23, %get3A_55, %dot_general3A_56 {dimension_numbers = #tpu.dot_dimension_numbers<[1], [0], [0], [1], [0, 0, 1, 1], [], []>, transpose_lhs_hint = false} : vector<512x1024xf32>, vector<1024x1024xf32>, vector<512x1024xf32> -> vector<512x1024xf32>
    %get3A_58 = arith.constant 0 : index
    %get3A_59 = arith.constant 0 : index
    %get3A_60 = vector.load %arg7[%get3A_58, %get3A_59] : memref<1x1024xf32, #tpu.memory_space<vmem>>, vector<1x1024xf32>
    %add3A_61 = vector.broadcast %get3A_60 : vector<1x1024xf32> to vector<512x1024xf32>
    %add3A_62 = arith.addf %dot_general3A_57, %add3A_61 : vector<512x1024xf32>
    %swap3A_63 = arith.constant 0 : index
    %swap3A_64 = arith.constant 0 : index
    %swap3A_65 = vector.load %arg12[%swap3A_63, %swap3A_64] : memref<512x1024xf32, #tpu.memory_space<vmem>>, vector<512x1024xf32>
    tpu.vector_store %arg12[%swap3A_63, %swap3A_64], %add3A_62 {strides = array<i32>} : memref<512x1024xf32, #tpu.memory_space<vmem>>, vector<512x1024xf32>,
    %get3A_66 = arith.constant 0 : index
    %get3A_67 = arith.constant 0 : index
    %get3A_68 = vector.load %arg8[%get3A_66, %get3A_67] : memref<64x1024xf32, #tpu.memory_space<vmem>>, vector<64x1024xf32>
    %dot_general3A_69 = arith.constant dense<0.000000e+00> : vector<512x1024xf32>
    %dot_general3A_70 = tpu.matmul %mul3A_50, %get3A_68, %dot_general3A_69 {dimension_numbers = #tpu.dot_dimension_numbers<[1], [0], [0], [1], [0, 0, 1, 1], [], []>, transpose_lhs_hint = false} : vector<512x64xf32>, vector<64x1024xf32>, vector<512x1024xf32> -> vector<512x1024xf32>
    %get3A_71 = arith.constant 0 : index
    %get3A_72 = arith.constant 0 : index
    %get3A_73 = vector.load %arg9[%get3A_71, %get3A_72] : memref<1x1024xf32, #tpu.memory_space<vmem>>, vector<1x1024xf32>
    %add3A_74 = vector.broadcast %get3A_73 : vector<1x1024xf32> to vector<512x1024xf32>
    %add3A_75 = arith.addf %dot_general3A_70, %add3A_74 : vector<512x1024xf32>
    %swap3A_76 = arith.constant 0 : index
    %swap3A_77 = arith.constant 0 : index
    %swap3A_78 = vector.load %arg13[%swap3A_76, %swap3A_77] : memref<512x1024xf32, #tpu.memory_space<vmem>>, vector<512x1024xf32>
    tpu.vector_store %arg13[%swap3A_76, %swap3A_77], %add3A_75 {strides = array<i32>} : memref<512x1024xf32, #tpu.memory_space<vmem>>, vector<512x1024xf32>,
    %get3A_79 = arith.constant 0 : index
    %get3A_80 = arith.constant 0 : index
    %get3A_81 = vector.load %arg10[%get3A_79, %get3A_80] : memref<64x1024xf32, #tpu.memory_space<vmem>>, vector<64x1024xf32>
    %dot_general3A_82 = arith.constant dense<0.000000e+00> : vector<512x1024xf32>
    %dot_general3A_83 = tpu.matmul %mul3A_50, %get3A_81, %dot_general3A_82 {dimension_numbers = #tpu.dot_dimension_numbers<[1], [0], [0], [1], [0, 0, 1, 1], [], []>, transpose_lhs_hint = false} : vector<512x64xf32>, vector<64x1024xf32>, vector<512x1024xf32> -> vector<512x1024xf32>
    %get3A_84 = arith.constant 0 : index
    %get3A_85 = arith.constant 0 : index
    %get3A_86 = vector.load %arg11[%get3A_84, %get3A_85] : memref<1x1024xf32, #tpu.memory_space<vmem>>, vector<1x1024xf32>
    %add3A_87 = vector.broadcast %get3A_86 : vector<1x1024xf32> to vector<512x1024xf32>
    %add3A_88 = arith.addf %dot_general3A_83, %add3A_87 : vector<512x1024xf32>
    %swap3A_89 = arith.constant 0 : index
    %swap3A_90 = arith.constant 0 : index
    %swap3A_91 = vector.load %arg14[%swap3A_89, %swap3A_90] : memref<512x1024xf32, #tpu.memory_space<vmem>>, vector<512x1024xf32>
    tpu.vector_store %arg14[%swap3A_89, %swap3A_90], %add3A_88 {strides = array<i32>} : memref<512x1024xf32, #tpu.memory_space<vmem>>, vector<512x1024xf32>,
    return
  }
  func.func @transform_0(%arg0: i32) -> (i32, i32) {
    %c0_i32 = arith.constant 0 : i32
    %c0_i32_0 = arith.constant 0 : i32
    return %arg0, %c0_i32 : i32, i32
  }
  func.func @transform_1(%arg0: i32) -> (i32, i32) {
    %c0_i32 = arith.constant 0 : i32
    %c0_i32_0 = arith.constant 0 : i32
    %c0_i32_1 = arith.constant 0 : i32
    return %c0_i32, %c0_i32_0 : i32, i32
  }
  func.func @transform_2(%arg0: i32) -> (i32, i32) {
    %c0_i32 = arith.constant 0 : i32
    %c0_i32_0 = arith.constant 0 : i32
    %c0_i32_1 = arith.constant 0 : i32
    return %c0_i32, %c0_i32_0 : i32, i32
  }
  func.func @transform_3(%arg0: i32) -> (i32, i32) {
    %c0_i32 = arith.constant 0 : i32
    %c0_i32_0 = arith.constant 0 : i32
    %c0_i32_1 = arith.constant 0 : i32
    return %c0_i32, %c0_i32_0 : i32, i32
  }
  func.func @transform_4(%arg0: i32) -> (i32, i32) {
    %c0_i32 = arith.constant 0 : i32
    %c0_i32_0 = arith.constant 0 : i32
    %c0_i32_1 = arith.constant 0 : i32
    return %c0_i32, %c0_i32_0 : i32, i32
  }
  func.func @transform_5(%arg0: i32) -> (i32, i32) {
    %c0_i32 = arith.constant 0 : i32
    %c0_i32_0 = arith.constant 0 : i32
    %c0_i32_1 = arith.constant 0 : i32
    return %c0_i32, %c0_i32_0 : i32, i32
  }
  func.func @transform_6(%arg0: i32) -> (i32, i32) {
    %c0_i32 = arith.constant 0 : i32
    %c0_i32_0 = arith.constant 0 : i32
    %c0_i32_1 = arith.constant 0 : i32
    return %c0_i32, %c0_i32_0 : i32, i32
  }
  func.func @transform_7(%arg0: i32) -> (i32, i32) {
    %c0_i32 = arith.constant 0 : i32
    %c0_i32_0 = arith.constant 0 : i32
    %c0_i32_1 = arith.constant 0 : i32
    return %c0_i32, %c0_i32_0 : i32, i32
  }
  func.func @transform_8(%arg0: i32) -> (i32, i32) {
    %c0_i32 = arith.constant 0 : i32
    %c0_i32_0 = arith.constant 0 : i32
    %c0_i32_1 = arith.constant 0 : i32
    return %c0_i32, %c0_i32_0 : i32, i32
  }
  func.func @transform_9(%arg0: i32) -> (i32, i32) {
    %c0_i32 = arith.constant 0 : i32
    %c0_i32_0 = arith.constant 0 : i32
    %c0_i32_1 = arith.constant 0 : i32
    return %c0_i32, %c0_i32_0 : i32, i32
  }
  func.func @transform_10(%arg0: i32) -> (i32, i32) {
    %c0_i32 = arith.constant 0 : i32
    %c0_i32_0 = arith.constant 0 : i32
    %c0_i32_1 = arith.constant 0 : i32
    return %c0_i32, %c0_i32_0 : i32, i32
  }
  func.func @transform_11(%arg0: i32) -> (i32, i32) {
    %c0_i32 = arith.constant 0 : i32
    %c0_i32_0 = arith.constant 0 : i32
    return %arg0, %c0_i32 : i32, i32
  }
  func.func @transform_12(%arg0: i32) -> (i32, i32) {
    %c0_i32 = arith.constant 0 : i32
    %c0_i32_0 = arith.constant 0 : i32
    return %arg0, %c0_i32 : i32, i32
  }
  func.func @transform_13(%arg0: i32) -> (i32, i32) {
    %c0_i32 = arith.constant 0 : i32
    %c0_i32_0 = arith.constant 0 : i32
    return %arg0, %c0_i32 : i32, i32
  }
  func.func @transform_14(%arg0: i32) -> (i32, i32) {
    %c0_i32 = arith.constant 0 : i32
    %c0_i32_0 = arith.constant 0 : i32
    return %arg0, %c0_i32 : i32, i32
  }
}

module attributes {stable_mosaic.version = 14 : i64} {
  func.func @_tail_kernel(%arg0: i32, %arg1: memref<512x1024xf32, #tpu.memory_space<vmem>>, %arg2: memref<512x64xf32, #tpu.memory_space<vmem>>, %arg3: memref<1024x1024xf32, #tpu.memory_space<vmem>>, %arg4: memref<1x1024xf32, #tpu.memory_space<vmem>>, %arg5: memref<64x1024xf32, #tpu.memory_space<vmem>>, %arg6: memref<1024x1024xf32, #tpu.memory_space<vmem>>, %arg7: memref<1x1024xf32, #tpu.memory_space<vmem>>, %arg8: memref<1024x16xf32, #tpu.memory_space<vmem>>, %arg9: memref<1x16xf32, #tpu.memory_space<vmem>>, %arg10: memref<64x128xf32, #tpu.memory_space<vmem>>, %arg11: memref<1x128xf32, #tpu.memory_space<vmem>>, %arg12: memref<512x16xf32, #tpu.memory_space<vmem>>, %arg13: memref<512x8xf32, #tpu.memory_space<vmem>>, %arg14: memref<512x1024xf32, #tpu.memory_space<vmem>>) attributes {dimension_semantics = [#tpu.dimension_semantics<arbitrary>], iteration_bounds = array<i64: 16>, scalar_prefetch = 0 : i64, scratch_operands = 0 : i64, tpu.core_type = #tpu.core_type<tc>, window_params = [{transform_indices = @transform_0, window_bounds = array<i64: 512, 1024>}, {transform_indices = @transform_1, window_bounds = array<i64: 512, 64>}, {pipeline_mode = #tpu.pipeline_mode<synchronous>, transform_indices = @transform_2, window_bounds = array<i64: 1024, 1024>}, {pipeline_mode = #tpu.pipeline_mode<synchronous>, transform_indices = @transform_3, window_bounds = array<i64: 1, 1024>}, {pipeline_mode = #tpu.pipeline_mode<synchronous>, transform_indices = @transform_4, window_bounds = array<i64: 64, 1024>}, {pipeline_mode = #tpu.pipeline_mode<synchronous>, transform_indices = @transform_5, window_bounds = array<i64: 1024, 1024>}, {pipeline_mode = #tpu.pipeline_mode<synchronous>, transform_indices = @transform_6, window_bounds = array<i64: 1, 1024>}, {pipeline_mode = #tpu.pipeline_mode<synchronous>, transform_indices = @transform_7, window_bounds = array<i64: 1024, 16>}, {pipeline_mode = #tpu.pipeline_mode<synchronous>, transform_indices = @transform_8, window_bounds = array<i64: 1, 16>}, {pipeline_mode = #tpu.pipeline_mode<synchronous>, transform_indices = @transform_9, window_bounds = array<i64: 64, 128>}, {pipeline_mode = #tpu.pipeline_mode<synchronous>, transform_indices = @transform_10, window_bounds = array<i64: 1, 128>}, {transform_indices = @transform_11, window_bounds = array<i64: 512, 16>}, {transform_indices = @transform_12, window_bounds = array<i64: 512, 8>}, {transform_indices = @transform_13, window_bounds = array<i64: 512, 1024>}]} {
    %get3A = arith.constant 0 : index
    %get3A_0 = arith.constant 0 : index
    %get3A_1 = vector.load %arg2[%get3A, %get3A_0] : memref<512x64xf32, #tpu.memory_space<vmem>>, vector<512x64xf32>
    %get3A_2 = arith.constant 0 : index
    %get3A_3 = arith.constant 0 : index
    %get3A_4 = vector.load %arg1[%get3A_2, %get3A_3] : memref<512x1024xf32, #tpu.memory_space<vmem>>, vector<512x1024xf32>
    %get3A_5 = arith.constant 0 : index
    %get3A_6 = arith.constant 0 : index
    %get3A_7 = vector.load %arg3[%get3A_5, %get3A_6] : memref<1024x1024xf32, #tpu.memory_space<vmem>>, vector<1024x1024xf32>
    %dot_general3A = arith.constant dense<0.000000e+00> : vector<512x1024xf32>
    %dot_general3A_8 = tpu.matmul %get3A_4, %get3A_7, %dot_general3A {dimension_numbers = #tpu.dot_dimension_numbers<[1], [0], [0], [1], [0, 0, 1, 1], [], []>, transpose_lhs_hint = false} : vector<512x1024xf32>, vector<1024x1024xf32>, vector<512x1024xf32> -> vector<512x1024xf32>
    %get3A_9 = arith.constant 0 : index
    %get3A_10 = arith.constant 0 : index
    %get3A_11 = vector.load %arg4[%get3A_9, %get3A_10] : memref<1x1024xf32, #tpu.memory_space<vmem>>, vector<1x1024xf32>
    %add3A = vector.broadcast %get3A_11 : vector<1x1024xf32> to vector<512x1024xf32>
    %add3A_12 = arith.addf %dot_general3A_8, %add3A : vector<512x1024xf32>
    %reduce_sum3A = arith.constant dense<0.000000e+00> : vector<512xf32>
    %reduce_sum3A_13 = vector.multi_reduction <add>, %get3A_1, %reduce_sum3A [1] : vector<512x64xf32> to vector<512xf32>
    %broadcast_in_dim3A = vector.shape_cast %reduce_sum3A_13 : vector<512xf32> to vector<512x1xf32>
    %reduce_sum3A_14 = arith.constant dense<0.000000e+00> : vector<512xf32>
    %reduce_sum3A_15 = vector.multi_reduction <add>, %add3A_12, %reduce_sum3A_14 [1] : vector<512x1024xf32> to vector<512xf32>
    %broadcast_in_dim3A_16 = vector.shape_cast %reduce_sum3A_15 : vector<512xf32> to vector<512x1xf32>
    %add3A_17 = arith.addf %broadcast_in_dim3A, %broadcast_in_dim3A_16 : vector<512x1xf32>
    %div3A = arith.constant 1.088000e+03 : f32
    %div3A_18 = vector.broadcast %div3A : f32 to vector<512x1xf32>
    %div3A_19 = arith.divf %add3A_17, %div3A_18 : vector<512x1xf32>
    %sub3A = vector.broadcast %div3A_19 : vector<512x1xf32> to vector<512x64xf32>
    %sub3A_20 = arith.subf %get3A_1, %sub3A : vector<512x64xf32>
    %sub3A_21 = vector.broadcast %div3A_19 : vector<512x1xf32> to vector<512x1024xf32>
    %sub3A_22 = arith.subf %add3A_12, %sub3A_21 : vector<512x1024xf32>
    %mul3A = arith.mulf %sub3A_20, %sub3A_20 : vector<512x64xf32>
    %reduce_sum3A_23 = arith.constant dense<0.000000e+00> : vector<512xf32>
    %reduce_sum3A_24 = vector.multi_reduction <add>, %mul3A, %reduce_sum3A_23 [1] : vector<512x64xf32> to vector<512xf32>
    %broadcast_in_dim3A_25 = vector.shape_cast %reduce_sum3A_24 : vector<512xf32> to vector<512x1xf32>
    %mul3A_26 = arith.mulf %sub3A_22, %sub3A_22 : vector<512x1024xf32>
    %reduce_sum3A_27 = arith.constant dense<0.000000e+00> : vector<512xf32>
    %reduce_sum3A_28 = vector.multi_reduction <add>, %mul3A_26, %reduce_sum3A_27 [1] : vector<512x1024xf32> to vector<512xf32>
    %broadcast_in_dim3A_29 = vector.shape_cast %reduce_sum3A_28 : vector<512xf32> to vector<512x1xf32>
    %add3A_30 = arith.addf %broadcast_in_dim3A_25, %broadcast_in_dim3A_29 : vector<512x1xf32>
    %div3A_31 = arith.constant 1.088000e+03 : f32
    %div3A_32 = vector.broadcast %div3A_31 : f32 to vector<512x1xf32>
    %div3A_33 = arith.divf %add3A_30, %div3A_32 : vector<512x1xf32>
    %add3A_34 = arith.constant 9.99999974E-6 : f32
    %add3A_35 = vector.broadcast %add3A_34 : f32 to vector<512x1xf32>
    %add3A_36 = arith.addf %div3A_33, %add3A_35 : vector<512x1xf32>
    %sqrt3A = math.sqrt %add3A_36 : vector<512x1xf32>
    %div3A_37 = vector.broadcast %sqrt3A : vector<512x1xf32> to vector<512x64xf32>
    %div3A_38 = arith.divf %sub3A_20, %div3A_37 : vector<512x64xf32>
    %get3A_39 = arith.constant 0 : index
    %get3A_40 = arith.constant 0 : index
    %get3A_41 = vector.load %arg5[%get3A_39, %get3A_40] : memref<64x1024xf32, #tpu.memory_space<vmem>>, vector<64x1024xf32>
    %dot_general3A_42 = arith.constant dense<0.000000e+00> : vector<512x1024xf32>
    %dot_general3A_43 = tpu.matmul %div3A_38, %get3A_41, %dot_general3A_42 {dimension_numbers = #tpu.dot_dimension_numbers<[1], [0], [0], [1], [0, 0, 1, 1], [], []>, transpose_lhs_hint = false} : vector<512x64xf32>, vector<64x1024xf32>, vector<512x1024xf32> -> vector<512x1024xf32>
    %div3A_44 = vector.broadcast %sqrt3A : vector<512x1xf32> to vector<512x1024xf32>
    %div3A_45 = arith.divf %sub3A_22, %div3A_44 : vector<512x1024xf32>
    %get3A_46 = arith.constant 0 : index
    %get3A_47 = arith.constant 0 : index
    %get3A_48 = vector.load %arg6[%get3A_46, %get3A_47] : memref<1024x1024xf32, #tpu.memory_space<vmem>>, vector<1024x1024xf32>
    %dot_general3A_49 = arith.constant dense<0.000000e+00> : vector<512x1024xf32>
    %dot_general3A_50 = tpu.matmul %div3A_45, %get3A_48, %dot_general3A_49 {dimension_numbers = #tpu.dot_dimension_numbers<[1], [0], [0], [1], [0, 0, 1, 1], [], []>, transpose_lhs_hint = false} : vector<512x1024xf32>, vector<1024x1024xf32>, vector<512x1024xf32> -> vector<512x1024xf32>
    %add3A_51 = arith.addf %dot_general3A_43, %dot_general3A_50 : vector<512x1024xf32>
    %get3A_52 = arith.constant 0 : index
    %get3A_53 = arith.constant 0 : index
    %get3A_54 = vector.load %arg7[%get3A_52, %get3A_53] : memref<1x1024xf32, #tpu.memory_space<vmem>>, vector<1x1024xf32>
    %add3A_55 = vector.broadcast %get3A_54 : vector<1x1024xf32> to vector<512x1024xf32>
    %add3A_56 = arith.addf %add3A_51, %add3A_55 : vector<512x1024xf32>
    %swap3A = arith.constant 0 : index
    %swap3A_57 = arith.constant 0 : index
    %swap3A_58 = vector.load %arg14[%swap3A, %swap3A_57] : memref<512x1024xf32, #tpu.memory_space<vmem>>, vector<512x1024xf32>
    tpu.vector_store %arg14[%swap3A, %swap3A_57], %add3A_56 {strides = array<i32>} : memref<512x1024xf32, #tpu.memory_space<vmem>>, vector<512x1024xf32>,
    %get3A_59 = arith.constant 0 : index
    %get3A_60 = arith.constant 0 : index
    %get3A_61 = vector.load %arg8[%get3A_59, %get3A_60] : memref<1024x16xf32, #tpu.memory_space<vmem>>, vector<1024x16xf32>
    %dot_general3A_62 = arith.constant dense<0.000000e+00> : vector<512x16xf32>
    %dot_general3A_63 = tpu.matmul %add3A_56, %get3A_61, %dot_general3A_62 {dimension_numbers = #tpu.dot_dimension_numbers<[1], [0], [0], [1], [0, 0, 1, 1], [], []>, transpose_lhs_hint = false} : vector<512x1024xf32>, vector<1024x16xf32>, vector<512x16xf32> -> vector<512x16xf32>
    %get3A_64 = arith.constant 0 : index
    %get3A_65 = arith.constant 0 : index
    %get3A_66 = vector.load %arg9[%get3A_64, %get3A_65] : memref<1x16xf32, #tpu.memory_space<vmem>>, vector<1x16xf32>
    %add3A_67 = vector.broadcast %get3A_66 : vector<1x16xf32> to vector<512x16xf32>
    %add3A_68 = arith.addf %dot_general3A_63, %add3A_67 : vector<512x16xf32>
    %reduce_sum3A_69 = arith.constant dense<0.000000e+00> : vector<512xf32>
    %reduce_sum3A_70 = vector.multi_reduction <add>, %add3A_68, %reduce_sum3A_69 [1] : vector<512x16xf32> to vector<512xf32>
    %broadcast_in_dim3A_71 = vector.shape_cast %reduce_sum3A_70 : vector<512xf32> to vector<512x1xf32>
    %div3A_72 = arith.constant 1.600000e+01 : f32
    %div3A_73 = vector.broadcast %div3A_72 : f32 to vector<512x1xf32>
    %div3A_74 = arith.divf %broadcast_in_dim3A_71, %div3A_73 : vector<512x1xf32>
    %sub3A_75 = vector.broadcast %div3A_74 : vector<512x1xf32> to vector<512x16xf32>
    %sub3A_76 = arith.subf %add3A_68, %sub3A_75 : vector<512x16xf32>
    %mul3A_77 = arith.mulf %sub3A_76, %sub3A_76 : vector<512x16xf32>
    %reduce_sum3A_78 = arith.constant dense<0.000000e+00> : vector<512xf32>
    %reduce_sum3A_79 = vector.multi_reduction <add>, %mul3A_77, %reduce_sum3A_78 [1] : vector<512x16xf32> to vector<512xf32>
    %broadcast_in_dim3A_80 = vector.shape_cast %reduce_sum3A_79 : vector<512xf32> to vector<512x1xf32>
    %div3A_81 = arith.constant 1.600000e+01 : f32
    %div3A_82 = vector.broadcast %div3A_81 : f32 to vector<512x1xf32>
    %div3A_83 = arith.divf %broadcast_in_dim3A_80, %div3A_82 : vector<512x1xf32>
    %add3A_84 = arith.constant 9.99999974E-6 : f32
    %add3A_85 = vector.broadcast %add3A_84 : f32 to vector<512x1xf32>
    %add3A_86 = arith.addf %div3A_83, %add3A_85 : vector<512x1xf32>
    %sqrt3A_87 = math.sqrt %add3A_86 : vector<512x1xf32>
    %div3A_88 = vector.broadcast %sqrt3A_87 : vector<512x1xf32> to vector<512x16xf32>
    %div3A_89 = arith.divf %sub3A_76, %div3A_88 : vector<512x16xf32>
    %swap3A_90 = arith.constant 0 : index
    %swap3A_91 = arith.constant 0 : index
    %swap3A_92 = vector.load %arg12[%swap3A_90, %swap3A_91] : memref<512x16xf32, #tpu.memory_space<vmem>>, vector<512x16xf32>
    tpu.vector_store %arg12[%swap3A_90, %swap3A_91], %div3A_89 {strides = array<i32>} : memref<512x16xf32, #tpu.memory_space<vmem>>, vector<512x16xf32>,
    %reduce_max3A = arith.constant dense<0xFF800000> : vector<512xf32>
    %reduce_max3A_93 = vector.multi_reduction <maximumf>, %div3A_89, %reduce_max3A [1] : vector<512x16xf32> to vector<512xf32>
    %broadcast_in_dim3A_94 = vector.shape_cast %reduce_max3A_93 : vector<512xf32> to vector<512x1xf32>
    %sub3A_95 = vector.broadcast %broadcast_in_dim3A_94 : vector<512x1xf32> to vector<512x16xf32>
    %sub3A_96 = arith.subf %div3A_89, %sub3A_95 : vector<512x16xf32>
    %exp3A = math.exp %sub3A_96 : vector<512x16xf32>
    %reduce_sum3A_97 = arith.constant dense<0.000000e+00> : vector<512xf32>
    %reduce_sum3A_98 = vector.multi_reduction <add>, %exp3A, %reduce_sum3A_97 [1] : vector<512x16xf32> to vector<512xf32>
    %broadcast_in_dim3A_99 = vector.shape_cast %reduce_sum3A_98 : vector<512xf32> to vector<512x1xf32>
    %div3A_100 = vector.broadcast %broadcast_in_dim3A_99 : vector<512x1xf32> to vector<512x16xf32>
    %div3A_101 = arith.divf %exp3A, %div3A_100 : vector<512x16xf32>
    %reduce_max3A_102 = arith.constant dense<0xFF800000> : vector<512xf32>
    %reduce_max3A_103 = vector.multi_reduction <maximumf>, %div3A_101, %reduce_max3A_102 [1] : vector<512x16xf32> to vector<512xf32>
    %broadcast_in_dim3A_104 = vector.shape_cast %reduce_max3A_103 : vector<512xf32> to vector<512x1xf32>
    %iota3A = tpu.iota {dimensions = array<i32: 1>} : vector<512x16xi32>
    %eq3A = vector.broadcast %broadcast_in_dim3A_104 : vector<512x1xf32> to vector<512x16xf32>
    %eq3A_105 = arith.cmpf oeq, %div3A_101, %eq3A : vector<512x16xf32>
    %jit3A = arith.constant 16 : i32
    %broadcast_in_dim3A_106 = vector.broadcast %jit3A : i32 to vector<512x16xi32>
    %select_n3A = arith.select %eq3A_105, %iota3A, %broadcast_in_dim3A_106 : vector<512x16xi1>, vector<512x16xi32>
    %reduce_min3A = arith.constant dense<2147483647> : vector<512xi32>
    %reduce_min3A_107 = vector.multi_reduction <minsi>, %select_n3A, %reduce_min3A [1] : vector<512x16xi32> to vector<512xi32>
    %broadcast_in_dim3A_108 = vector.shape_cast %reduce_min3A_107 : vector<512xi32> to vector<512x1xi32>
    %get3A_109 = arith.constant 0 : index
    %get3A_110 = arith.constant 0 : index
    %get3A_111 = vector.load %arg10[%get3A_109, %get3A_110] : memref<64x128xf32, #tpu.memory_space<vmem>>, vector<64x128xf32>
    %dot_general3A_112 = arith.constant dense<0.000000e+00> : vector<512x128xf32>
    %dot_general3A_113 = tpu.matmul %get3A_1, %get3A_111, %dot_general3A_112 {dimension_numbers = #tpu.dot_dimension_numbers<[1], [0], [0], [1], [0, 0, 1, 1], [], []>, transpose_lhs_hint = false} : vector<512x64xf32>, vector<64x128xf32>, vector<512x128xf32> -> vector<512x128xf32>
    %get3A_114 = arith.constant 0 : index
    %get3A_115 = arith.constant 0 : index
    %get3A_116 = vector.load %arg11[%get3A_114, %get3A_115] : memref<1x128xf32, #tpu.memory_space<vmem>>, vector<1x128xf32>
    %add3A_117 = vector.broadcast %get3A_116 : vector<1x128xf32> to vector<512x128xf32>
    %add3A_118 = arith.addf %dot_general3A_113, %add3A_117 : vector<512x128xf32>
    %iota3A_119 = tpu.iota {dimensions = array<i32: 1>} : vector<512x128xi32>
    %jit3A_120 = arith.constant 8 : i32
    %div3A_121 = vector.broadcast %jit3A_120 : i32 to vector<512x128xi32>
    %div3A_122 = arith.divsi %iota3A_119, %div3A_121 : vector<512x128xi32>
    %sign3A = arith.constant 0 : i32
    %sign3A_123 = vector.broadcast %sign3A : i32 to vector<512x128xi32>
    %sign3A_124 = arith.cmpi sgt, %iota3A_119, %sign3A_123 : vector<512x128xi32>
    %sign3A_125 = arith.extui %sign3A_124 : vector<512x128xi1> to vector<512x128xi32>
    %sign3A_126 = arith.constant 0 : i32
    %sign3A_127 = vector.broadcast %sign3A_126 : i32 to vector<512x128xi32>
    %sign3A_128 = arith.cmpi slt, %iota3A_119, %sign3A_127 : vector<512x128xi32>
    %sign3A_129 = arith.extui %sign3A_128 : vector<512x128xi1> to vector<512x128xi32>
    %sign3A_130 = arith.subi %sign3A_125, %sign3A_129 : vector<512x128xi32>
    %sign3A_131 = arith.constant 0 : i32
    %sign3A_132 = arith.cmpi sgt, %jit3A_120, %sign3A_131 : i32
    %sign3A_133 = arith.extui %sign3A_132 : i1 to i32
    %sign3A_134 = arith.constant 0 : i32
    %sign3A_135 = arith.cmpi slt, %jit3A_120, %sign3A_134 : i32
    %sign3A_136 = arith.extui %sign3A_135 : i1 to i32
    %sign3A_137 = arith.subi %sign3A_133, %sign3A_136 : i32
    %ne3A = vector.broadcast %sign3A_137 : i32 to vector<512x128xi32>
    %ne3A_138 = arith.cmpi ne, %sign3A_130, %ne3A : vector<512x128xi32>
    %rem3A = vector.broadcast %jit3A_120 : i32 to vector<512x128xi32>
    %rem3A_139 = arith.remsi %iota3A_119, %rem3A : vector<512x128xi32>
    %ne3A_140 = arith.constant 0 : i32
    %ne3A_141 = vector.broadcast %ne3A_140 : i32 to vector<512x128xi32>
    %ne3A_142 = arith.cmpi ne, %rem3A_139, %ne3A_141 : vector<512x128xi32>
    %and3A = arith.andi %ne3A_138, %ne3A_142 : vector<512x128xi1>
    %sub3A_143 = arith.constant 1 : i32
    %sub3A_144 = vector.broadcast %sub3A_143 : i32 to vector<512x128xi32>
    %sub3A_145 = arith.subi %div3A_122, %sub3A_144 : vector<512x128xi32>
    %select_n3A_146 = arith.select %and3A, %sub3A_145, %div3A_122 : vector<512x128xi1>, vector<512x128xi32>
    %eq3A_147 = vector.broadcast %broadcast_in_dim3A_108 : vector<512x1xi32> to vector<512x128xi32>
    %eq3A_148 = arith.cmpi eq, %select_n3A_146, %eq3A_147 : vector<512x128xi32>
    %jit3A_149 = arith.constant 0.000000e+00 : f32
    %broadcast_in_dim3A_150 = vector.broadcast %jit3A_149 : f32 to vector<512x128xf32>
    %select_n3A_151 = arith.select %eq3A_148, %add3A_118, %broadcast_in_dim3A_150 : vector<512x128xi1>, vector<512x128xf32>
    %iota3A_152 = tpu.iota {dimensions = array<i32: 0>} : vector<128x8xi32>
    %iota3A_153 = tpu.iota {dimensions = array<i32: 1>} : vector<128x8xi32>
    %jit3A_154 = arith.constant 8 : i32
    %eq3A_155 = arith.constant 0 : i32
    %eq3A_156 = arith.cmpi eq, %jit3A_154, %eq3A_155 : i32
    %jit3A_157 = arith.constant 1 : i32
    %select_n3A_158 = arith.select %eq3A_156, %jit3A_157, %jit3A_154 : i32
    %rem3A_159 = vector.broadcast %select_n3A_158 : i32 to vector<128x8xi32>
    %rem3A_160 = arith.remsi %iota3A_152, %rem3A_159 : vector<128x8xi32>
    %ne3A_161 = arith.constant 0 : i32
    %ne3A_162 = vector.broadcast %ne3A_161 : i32 to vector<128x8xi32>
    %ne3A_163 = arith.cmpi ne, %rem3A_160, %ne3A_162 : vector<128x8xi32>
    %lt3A = arith.constant 0 : i32
    %lt3A_164 = vector.broadcast %lt3A : i32 to vector<128x8xi32>
    %lt3A_165 = arith.cmpi slt, %rem3A_160, %lt3A_164 : vector<128x8xi32>
    %lt3A_166 = arith.constant 0 : i32
    %lt3A_167 = arith.cmpi slt, %select_n3A_158, %lt3A_166 : i32
    %ne3A_168 = vector.broadcast %lt3A_167 : i1 to vector<128x8xi1>
    %ne3A_169 = vector.broadcast %ne3A_168 : vector<128x8xi1> to vector<128x8xi1>
    %ne3A_170 = arith.xori %lt3A_165, %ne3A_169 : vector<128x8xi1>
    %and3A_171 = arith.andi %ne3A_170, %ne3A_163 : vector<128x8xi1>
    %add3A_172 = vector.broadcast %select_n3A_158 : i32 to vector<128x8xi32>
    %add3A_173 = arith.addi %rem3A_160, %add3A_172 : vector<128x8xi32>
    %select_n3A_174 = arith.select %and3A_171, %add3A_173, %rem3A_160 : vector<128x8xi1>, vector<128x8xi32>
    %eq3A_175 = arith.cmpi eq, %select_n3A_174, %iota3A_153 : vector<128x8xi32>
    %convert_element_type3A = arith.extui %eq3A_175 : vector<128x8xi1> to vector<128x8xi32>
    %convert_element_type3A_176 = arith.sitofp %convert_element_type3A : vector<128x8xi32> to vector<128x8xf32>
    %dot_general3A_177 = arith.constant dense<0.000000e+00> : vector<512x8xf32>
    %dot_general3A_178 = tpu.matmul %select_n3A_151, %convert_element_type3A_176, %dot_general3A_177 {dimension_numbers = #tpu.dot_dimension_numbers<[1], [0], [0], [1], [0, 0, 1, 1], [], []>, precision = #tpu.contract_precision<fp32>, transpose_lhs_hint = false} : vector<512x128xf32>, vector<128x8xf32>, vector<512x8xf32> -> vector<512x8xf32>
    %reduce_sum3A_179 = arith.constant dense<0.000000e+00> : vector<512xf32>
    %reduce_sum3A_180 = vector.multi_reduction <add>, %dot_general3A_178, %reduce_sum3A_179 [1] : vector<512x8xf32> to vector<512xf32>
    %broadcast_in_dim3A_181 = vector.shape_cast %reduce_sum3A_180 : vector<512xf32> to vector<512x1xf32>
    %div3A_182 = arith.constant 8.000000e+00 : f32
    %div3A_183 = vector.broadcast %div3A_182 : f32 to vector<512x1xf32>
    %div3A_184 = arith.divf %broadcast_in_dim3A_181, %div3A_183 : vector<512x1xf32>
    %sub3A_185 = vector.broadcast %div3A_184 : vector<512x1xf32> to vector<512x8xf32>
    %sub3A_186 = arith.subf %dot_general3A_178, %sub3A_185 : vector<512x8xf32>
    %mul3A_187 = arith.mulf %sub3A_186, %sub3A_186 : vector<512x8xf32>
    %reduce_sum3A_188 = arith.constant dense<0.000000e+00> : vector<512xf32>
    %reduce_sum3A_189 = vector.multi_reduction <add>, %mul3A_187, %reduce_sum3A_188 [1] : vector<512x8xf32> to vector<512xf32>
    %broadcast_in_dim3A_190 = vector.shape_cast %reduce_sum3A_189 : vector<512xf32> to vector<512x1xf32>
    %div3A_191 = arith.constant 8.000000e+00 : f32
    %div3A_192 = vector.broadcast %div3A_191 : f32 to vector<512x1xf32>
    %div3A_193 = arith.divf %broadcast_in_dim3A_190, %div3A_192 : vector<512x1xf32>
    %add3A_194 = arith.constant 9.99999974E-6 : f32
    %add3A_195 = vector.broadcast %add3A_194 : f32 to vector<512x1xf32>
    %add3A_196 = arith.addf %div3A_193, %add3A_195 : vector<512x1xf32>
    %sqrt3A_197 = math.sqrt %add3A_196 : vector<512x1xf32>
    %div3A_198 = vector.broadcast %sqrt3A_197 : vector<512x1xf32> to vector<512x8xf32>
    %div3A_199 = arith.divf %sub3A_186, %div3A_198 : vector<512x8xf32>
    %swap3A_200 = arith.constant 0 : index
    %swap3A_201 = arith.constant 0 : index
    %swap3A_202 = vector.load %arg13[%swap3A_200, %swap3A_201] : memref<512x8xf32, #tpu.memory_space<vmem>>, vector<512x8xf32>
    tpu.vector_store %arg13[%swap3A_200, %swap3A_201], %div3A_199 {strides = array<i32>} : memref<512x8xf32, #tpu.memory_space<vmem>>, vector<512x8xf32>,
    return
  }
  func.func @transform_0(%arg0: i32) -> (i32, i32) {
    %c0_i32 = arith.constant 0 : i32
    %c0_i32_0 = arith.constant 0 : i32
    return %arg0, %c0_i32 : i32, i32
  }
  func.func @transform_1(%arg0: i32) -> (i32, i32) {
    %c0_i32 = arith.constant 0 : i32
    %c0_i32_0 = arith.constant 0 : i32
    return %arg0, %c0_i32 : i32, i32
  }
  func.func @transform_2(%arg0: i32) -> (i32, i32) {
    %c0_i32 = arith.constant 0 : i32
    %c0_i32_0 = arith.constant 0 : i32
    %c0_i32_1 = arith.constant 0 : i32
    return %c0_i32, %c0_i32_0 : i32, i32
  }
  func.func @transform_3(%arg0: i32) -> (i32, i32) {
    %c0_i32 = arith.constant 0 : i32
    %c0_i32_0 = arith.constant 0 : i32
    %c0_i32_1 = arith.constant 0 : i32
    return %c0_i32, %c0_i32_0 : i32, i32
  }
  func.func @transform_4(%arg0: i32) -> (i32, i32) {
    %c0_i32 = arith.constant 0 : i32
    %c0_i32_0 = arith.constant 0 : i32
    %c0_i32_1 = arith.constant 0 : i32
    return %c0_i32, %c0_i32_0 : i32, i32
  }
  func.func @transform_5(%arg0: i32) -> (i32, i32) {
    %c0_i32 = arith.constant 0 : i32
    %c0_i32_0 = arith.constant 0 : i32
    %c0_i32_1 = arith.constant 0 : i32
    return %c0_i32, %c0_i32_0 : i32, i32
  }
  func.func @transform_6(%arg0: i32) -> (i32, i32) {
    %c0_i32 = arith.constant 0 : i32
    %c0_i32_0 = arith.constant 0 : i32
    %c0_i32_1 = arith.constant 0 : i32
    return %c0_i32, %c0_i32_0 : i32, i32
  }
  func.func @transform_7(%arg0: i32) -> (i32, i32) {
    %c0_i32 = arith.constant 0 : i32
    %c0_i32_0 = arith.constant 0 : i32
    %c0_i32_1 = arith.constant 0 : i32
    return %c0_i32, %c0_i32_0 : i32, i32
  }
  func.func @transform_8(%arg0: i32) -> (i32, i32) {
    %c0_i32 = arith.constant 0 : i32
    %c0_i32_0 = arith.constant 0 : i32
    %c0_i32_1 = arith.constant 0 : i32
    return %c0_i32, %c0_i32_0 : i32, i32
  }
  func.func @transform_9(%arg0: i32) -> (i32, i32) {
    %c0_i32 = arith.constant 0 : i32
    %c0_i32_0 = arith.constant 0 : i32
    %c0_i32_1 = arith.constant 0 : i32
    return %c0_i32, %c0_i32_0 : i32, i32
  }
  func.func @transform_10(%arg0: i32) -> (i32, i32) {
    %c0_i32 = arith.constant 0 : i32
    %c0_i32_0 = arith.constant 0 : i32
    %c0_i32_1 = arith.constant 0 : i32
    return %c0_i32, %c0_i32_0 : i32, i32
  }
  func.func @transform_11(%arg0: i32) -> (i32, i32) {
    %c0_i32 = arith.constant 0 : i32
    %c0_i32_0 = arith.constant 0 : i32
    return %arg0, %c0_i32 : i32, i32
  }
  func.func @transform_12(%arg0: i32) -> (i32, i32) {
    %c0_i32 = arith.constant 0 : i32
    %c0_i32_0 = arith.constant 0 : i32
    return %arg0, %c0_i32 : i32, i32
  }
  func.func @transform_13(%arg0: i32) -> (i32, i32) {
    %c0_i32 = arith.constant 0 : i32
    %c0_i32_0 = arith.constant 0 : i32
    return %arg0, %c0_i32 : i32, i32
  }
}

</mosaic_0001>

<sc_bundles>
// kernel: sparse-core-data-format-call.1.cloned.1.call-start
scs
called_computation.1_lowered:
.L_overlay_start_0:
0x0: {  	s1 =	sld [smem:$0x3FD9]  }
0x1: {  	s2 =	sld [smem:$0x3FFE];
	_ =	sdelay $0x1  }
0x2: {  	s3 =	srdreg.scid  }
0x3: {  	s0 =	sand.u32 $0x1, s3  }
0x4: {  	s17 =	sshll.u32 s0, $0xA;
	s1 =	sadd.s32 s2, s1  }
0x5: {  	s1 =	sadd.s32 s1, s17  }
0x6: {  	[smem:$0x3FB5] =	sst s1  }
0x7: {  	_ = 	snop  }
0x8: {  	(tm) =	ssettm $0x1  }
0x9: {  	s18 =	sld [smem:$0x3FFB];
	_ =	sdelay $0x3  }
0xa: {  	_ =	strace s18  }
0xb: {  	s1 =	sld [smem:$0x3FFC];
	_ =	sdelay $0x3  }
0xc: {  	_ =	strace s1  }
0xd: {  	s1 =	sld [smem:$0x3FFD];
	_ =	sdelay $0x3  }
0xe: {  	_ =	strace s1  }
0xf: {  	_ =	strace $0x8FFFFFFF  }
0x10: {  	s19 =	sld [smem:$0x3FDB];
	_ =	sdelay $0x1  }
0x11: {  	s20 =	simm.s32 $_scs_section_size  }
0x12: {  	s4 =	simm.s32 $_size__tile_overlayer_lowered;
	s5 =	simm.s32 $_tile_overlayer_lowered  }
0x13: {  	s23 =	simm.s32 $0x1BFF;
	s22 =	sshll.u32 s5, $0x1;
	s1 =	sadd.s32 s20, s19  }
0x14: {  	s6 =	simm.s32 $0x0;
	s21 =	sshll.u32 s4, $0x1;
	s4 =	sadd.s32 s22, s1  }
0x15: {  	[timem:s6], [sflag:s23] =	dma.local [hbm:s4], s21  }
0x16: {  	_ =	swait.ge [sflag:s23], s21  }
0x17: {  	s2 =	ssub.s32 $0x0, s21;
	[sflag:s23] =	ssyncset.done $0x0  }
0x18: {  	[sflag:s23] =	ssyncadd.s32 s2;
	_ =	sdelay $0x1  }
0x19: {  	s24 =	simm.s32 $0x1B8B  }
0x1a: {  	_ =	swait.ge [sflag:s24], $0x1  }
0x1b: {  	[sflag:s24] =	ssyncset.done $0x0  }
0x1c: {  	s26 =	simm.s32 $0x1B8E;
	s25 =	sld [smem:$0x3FFE];
	[sflag:s24] =	ssyncadd.s32 $0xFFFFFFFF  }
0x1d: {  	s27 =	simm.s32 $execute0_lowered;
	[smem:$0x3FD2] =	sst s26  }
0x1e: {  	s4 =	sshll.u32 s27, $0x1;
	_ =	strace $0x80000046;
	[dreg:$0x1] =	wrdreg $0xFFFFFFFF  }
0x1f: {  	s28 =	simm.s32 $_size_execute0_lowered;
	s1 =	sadd.s32 s1, s4;
	[dreg:$0x0] =	wrdreg $0x0  }
0x20: {  	s4 =	sshll.u32 s28, $0x1;
	[dreg:$0x2] =	wrdreg s1  }
0x21: {  	[dreg:$0x3] =	wrdreg s4  }
0x22: {  	[dreg:$0x4] =	wrdreg $0xC0  }
0x23: {  	_ =	task [dreg:s6], $0x5FFFF  }
0x24: {  	[dreg:$0x1] =	wrdreg $0xFFFFFFFF  }
0x25: {  	[dreg:$0x0] =	wrdreg $0x60  }
0x26: {  	[dreg:$0x2] =	wrdreg s25  }
0x27: {  	[dreg:$0x3] =	wrdreg $0x9  }
0x28: {  	_ =	task.clear_ibuf [dreg:s6], $0x4FFFF;
	_ =	strace $0x90000046  }
0x29: {  	s29 =	simm.s32 $0x9;
	_ =	strace $0x80000048  }
0x2a: {  	_ =	swait.ge [sflag:s29], $0x1  }
0x2b: {  	[sflag:s29] =	ssyncadd.s32 $0xFFFFFFFF  }
0x2c: {  	_ =	strace $0x90000048  }
0x2d: {  	_ =	sfence  }
0x2e: {  	s30 =	sld [smem:$0x0];
	_ =	sdelay $0x2  }
0x2f: {  	s31 =	sshll.u32 s3, $0xD;
	s3 =	sshrl.u32 s3, $0x2  }
0x30: {  	s2 =	sand.u32 $0x4000, s31;
	s1 =	sadd.s32 s3, s30  }
0x31: {  	s0 =	sor.u32 s2, s0;
	s1 =	sshll.u32 s1, $0x11  }
0x32: {  	s0 =	sor.u32 s1, s0  }
0x33: {  	s0 =	sadd.s32 $0x8F2B, s0  }
0x34: {  	[sflag:s0] =	ssyncadd.remote.s32 $0x1  }
0x35: {  	_ =	sfence.sel $0xFFFF  }
0x36: {  	[dreg:$0x0] =	wrdreg $0xFFFFFFFF;
	(pc) =	sbr.abs _section_cstart, $3  }
0x37: {  	[dreg:$0x1] =	wrdreg $0xFFFFFFFF  }
0x38: {  	_ =	task.clear_ibuf [dreg:s6], $0x2FFFF;
	_ =	strace $0x9FFFFFFF  }
0x39: {  	(tm) =	ssettm $0x7FFFFFFF  }
tec
execute0_lowered:
.L_overlay_start_1:
0x0: {  	(tag) =	ssettag $0x1  }
0x1: {  	s3 =	rddreg [dreg:$0x0];
	s1 =	srdreg.scid  }
0x2: {  	s0 =	rddreg [dreg:$0x1];
	_ =	strace $0x80000047;
	s4 =	simm.s32 $0x1  }
0x3: {  	s7 =	simm.s32 $0x2;
	s15 =	simm.s32 $0x0;
	p0 =	por $0x0, $0x0  }
0x4: {  	s13 =	simm.s32 $0x0;
	s14 =	simm.s32 $0x0;
	s1 =	sshll.u32 s1, $0x8  }
0x5: {  	s10 =	simm.s32 $0x0;
	s11 =	stileid.u32;
	s1 =	sand.u32 $0x100, s1  }
.Ltmp0:
0x6: {  	s12 =	simm.s32 $0x0;
	s6 =	ssub.s32 $0x2000, s1;
	(pc) =	sbr.rel .LBB1_1-.Ltmp0, $4  }
0x7: {  	s2 =	sadd.s32 $0x223A00, s3;
	s5 =	sadd.s32 $0x323A00, s3;
	s31 =	sshrl.u32 s6, $0x8  }
0x8: {  	[sflag:s4] =	ssyncpa.u1 $0x0;
	s6 =	sshrl.u32 s6, $0x9;
	s8 =	sand.u32 $0x1, s31  }
0x9: {  	s3 =	stileid.u32;
	[sflag:s7] =	ssyncpa.u1 $0x0;
	s6 =	sadd.s32 s6, s8  }
0xa: {  	s9 =	smov.u32 s1;
	s8 =	simm.s32 $0x80;
	s7 =	sadd.s32 $0x1, s6  }
.LBB1_4:
0xb: {  	_ = 	snop  }
0xc: {  	[tilespmem:s20+$0x1860 ss:$0x41] =	vst.msk $0xffff, v8  }
0xd: {  	[tilespmem:s20+$0x1C70 ss:$0x41] =	vst.msk $0xffff, v7  }
0xe: {  	[tilespmem:s20+$0x2490 ss:$0x41] =	vst.msk $0xffff, v1  }
0xf: {  	s23 =	sor.u32 s26, s25;
	v47 =	vld.idx.msk [tilespmem:v0+s18+$0x470 ss:$0x1], $0xffff;
	[tilespmem:s20+$0x28A0 ss:$0x41] =	vst.msk $0xffff, v2  }
0x10: {  	[tilespmem:s20+$0x2CB0 ss:$0x41] =	vst.msk $0xffff, v3;
	v57 =	vld.idx.msk [tilespmem:v0+s23+$0x410 ss:$0x1], $0xffff  }
0x11: {  	[tilespmem:s20+$0x30C0 ss:$0x41] =	vst.msk $0xffff, v4;
	v58 =	vld.idx.msk [tilespmem:v0+s23+$0x420 ss:$0x1], $0xffff  }
0x12: {  	[tilespmem:s20+$0x34D0 ss:$0x41] =	vst.msk $0xffff, v5;
	v59 =	vld.idx.msk [tilespmem:v0+s23+$0x430 ss:$0x1], $0xffff  }
0x13: {  	s27 =	sshra.s32 s21, $0x2;
	[tilespmem:s20+$0x38E0 ss:$0x41] =	vst.msk $0xffff, v6;
	v60 =	vld.idx.msk [tilespmem:v0+s23+$0x440 ss:$0x1], $0xffff  }
0x14: {  	s24 =	sand.u32 $0x3B00, s23;
	s18 =	sadd.s32 s27, s19;
	v61 =	vld.idx.msk [tilespmem:v0+s23+$0x450 ss:$0x1], $0xffff;
	[tilespmem:s20+$0x3CF0 ss:$0x41] =	vst.msk $0xffff, v47  }
0x15: {  	s22 =	sand.u32 $0x80, s22;
	v62 =	vld.idx.msk [tilespmem:v0+s23+$0x460 ss:$0x1], $0xffff;
	s17 =	sadd.s32 s24, s17;
	[tilespmem:s18+$0x2490 ss:$0x41] =	vst.msk $0xffff, v57  }
0x16: {  	v63 =	vld.idx.msk [tilespmem:v0+s23+$0x470 ss:$0x1], $0xffff;
	s17 =	sadd.s32 s22, s17;
	[tilespmem:s18+$0x28A0 ss:$0x41] =	vst.msk $0xffff, v58  }
0x17: {  	v48 =	vld [tilespmem:s17+$0x400];
	[tilespmem:s18+$0x2CB0 ss:$0x41] =	vst.msk $0xffff, v59  }
0x18: {  	v49 =	vld [tilespmem:s17+$0x0];
	[tilespmem:s18+$0x30C0 ss:$0x41] =	vst.msk $0xffff, v60  }
0x19: {  	v50 =	vld [tilespmem:s17+$0x10];
	[tilespmem:s18+$0x34D0 ss:$0x41] =	vst.msk $0xffff, v61  }
0x1a: {  	v51 =	vld [tilespmem:s17+$0x20];
	[tilespmem:s18+$0x38E0 ss:$0x41] =	vst.msk $0xffff, v62  }
0x1b: {  	v52 =	vld [tilespmem:s17+$0x30];
	[tilespmem:s18+$0x3CF0 ss:$0x41] =	vst.msk $0xffff, v63  }
0x1c: {  	v53 =	vld [tilespmem:s17+$0x40];
	[tilespmem:s18+$0x2080 ss:$0x41] =	vst.msk $0xffff, v48  }
0x1d: {  	v54 =	vld [tilespmem:s17+$0x50];
	[tilespmem:s18+$0x0 ss:$0x41] =	vst.msk $0xffff, v49  }
0x1e: {  	s15 =	sshll.u32 s15, $0x7;
	s28 =	sshll.u32 s13, $0x3;
	v55 =	vld [tilespmem:s17+$0x60];
	[tilespmem:s18+$0x410 ss:$0x41] =	vst.msk $0xffff, v50  }
0x1f: {  	s29 =	sand.u32 $0xFFC00, s15;
	v56 =	vld [tilespmem:s17+$0x70];
	s17 =	sand.u32 $0xFFC00, s28;
	[tilespmem:s18+$0x820 ss:$0x41] =	vst.msk $0xffff, v51  }
0x20: {  	s14 =	sshll.u32 s14, $0x11;
	s15 =	sand.u32 $0x380, s15;
	s17 =	sadd.s32 s17, s29;
	[tilespmem:s18+$0xC30 ss:$0x41] =	vst.msk $0xffff, v52  }
0x21: {  	s30 =	sshrl.u32 s13, $0x3;
	s31 =	sand.u32 $0x7, s13;
	s15 =	sor.u32 s15, s17;
	[tilespmem:s18+$0x1040 ss:$0x41] =	vst.msk $0xffff, v53  }
0x22: {  	s14 =	sadd.s32 s5, s14;
	s17 =	sand.u32 $0xF, s30;
	s15 =	sshrl.u32 s15, $0x3;
	[tilespmem:s18+$0x1450 ss:$0x41] =	vst.msk $0xffff, v54  }
0x23: {  	s13 =	sshll.u32 s31, $0x12;
	s14 =	sadd.s32 s17, s14;
	s15 =	sand.u32 $0x1FFF0, s15;
	[tilespmem:s18+$0x1860 ss:$0x41] =	vst.msk $0xffff, v55  }
0x24: {  	s13 =	sor.u32 $0x40, s13;
	[tilespmem:s18+$0x1C70 ss:$0x41] =	vst.msk $0xffff, v56;
	s14 =	sadd.s32 s15, s14  }
0x25: {  	[hbm4b:s14+s13] =	stream.strided.scatter [tilespmem:s16], [sflag:$0x2], $0x4000, s8, s13, $0x18;
	[tilespmem:$0x10200] =	vst v63  }
.LBB1_5:
0x26: {  	s16 =	sadd.s32 $0x200, s9  }
0x27: {  	s13 =	sadd.s32 $0x40, s10;
	s17 =	smov.u32 s10;
	p2 =	sgt.s32 s16, $0x1FFF  }
0x28: {  	s17 =	smov.u32 @p2 s13  }
0x29: {  	s19 =	smov.u32 s11;
	s13 =	sadd.s32 $0x10, s11;
	p3 =	sgt.s32 s17, $0x3F  }
0x2a: {  	s19 =	smov.u32 @p3 s13  }
0x2b: {  	s16 =	smov.u32 @p2 s1;
	p2 =	sgt.s32 s19, $0xF  }
0x2c: {  	p1 =	slt.u32 s12, $0x2;
	s19 =	smov.u32 @p2 s3;
	p2 =	sne.s32 s12, s7  }
.Ltmp1:
0x2d: {  	s18 =	simm.s32 @!p1 $0x2;
	(pc) =	sbr.rel @!p2 .LBB1_6-.Ltmp1, $4  }
0x2e: {  	s15 =	smov.u32 s9;
	s14 =	smov.u32 s11;
	_ =	swait.ge @!p1 [sflag:s18], $0x4000  }
0x2f: {  	p0 =	por !p0, !p0;
	[sflag:s18] =	ssyncset.done @!p1 $0x0;
	s9 =	smov.u32 s16  }
0x30: {  	s17 =	simm.s32 @p3 $0x0;
	s13 =	smov.u32 s10;
	[sflag:s18] =	ssyncadd.s32 @!p1 $0xFFFFC000  }
0x31: {  	s10 =	smov.u32 s17;
	s12 =	sadd.s32 $0x1, s12;
	s11 =	smov.u32 s19  }
.LBB1_1:
0x32: {  	p1 =	sge.u32 s12, s6;
	s31 =	sadd.s32 $0xFFFFFFFF, s12  }
0x33: {  	s16 =	sxor.u32 @!p1 $0xFFFFFFFF, s12;
	s17 =	sand.u32 @!p1 $0x78, s9;
	s18 =	sshll.u32 @!p1 s10, $0xD  }
0x34: {  	s19 =	sshll.u32 @!p1 s10, $0x7;
	s20 =	sshll.u32 @!p1 s9, $0x3;
	s16 =	sshll.u32 @!p1 s16, $0xE  }
0x35: {  	s18 =	sand.u32 @!p1 $0x70000, s18;
	s19 =	sand.u32 @!p1 $0x380, s19;
	s16 =	sand.u32 @!p1 $0x4000, s16  }
0x36: {  	s18 =	sadd.s32 @!p1 s18, s20;
	s20 =	sand.u32 @!p1 $0x1C00, s20;
	s17 =	sor.u32 @!p1 s19, s17  }
0x37: {  	s19 =	sshll.u32 @!p1 s11, $0x10;
	s17 =	sor.u32 @!p1 s20, s17;
	s18 =	sshrl.u32 @!p1 s18, $0x3  }
0x38: {  	s19 =	sadd.s32 @!p1 s2, s19;
	s20 =	sand.u32 @!p1 $0x7, s9;
	s18 =	sand.u32 @!p1 $0xFC00, s18  }
0x39: {  	s17 =	sshrl.u32 @!p1 s17, $0x3;
	s18 =	sadd.s32 @!p1 s18, s19;
	s19 =	sshll.u32 @!p1 s20, $0x12  }
0x3a: {  	s17 =	sadd.s32 @!p1 s17, s18;
	s18 =	sor.u32 @!p1 $0x800, s19;
	s19 =	simm.s32 @!p1 $0x10000  }
0x3b: {  	[tilespmem:s16], [sflag:$0x1] =	stream.strided.gather @!p1 [hbm4b:s17+s18], $0x4000, s19, s18, $0x38;
	[tilespmem:$0x10200] =	vst v63  }
0x3c: {  	p1 =	sge.u32 s31, s6  }
.Ltmp2:
0x3d: {  	_ = 	snop;
	(pc) =	sbr.rel @p1 .LBB1_5-.Ltmp2, $1  }
0x3e: {  	_ =	sdelay $0x3  }
0x3f: {  	s19 =	simm.s32 $0x0  }
0x40: {  	s18 =	sand.u32 $0x3800, s19;
	s20 =	sand.u32 $0x380, s19  }
0x41: {  	s16 =	sand.u32 $0x1, s12;
	s18 =	sor.u32 s20, s18  }
0x42: {  	_ =	swait.ge [sflag:s4], $0x4000;
	s17 =	sshll.u32 s16, $0xE;
	s20 =	sand.u32 $0x3B00, s18  }
0x43: {  	[sflag:s4] =	ssyncset.done $0x0;
	s19 =	sand.u32 $0x80, s19;
	s20 =	sadd.s32 s20, s17  }
0x44: {  	[sflag:s4] =	ssyncadd.s32 $0xFFFFC000;
	s22 =	sadd.s32 s19, s20  }
0x45: {  	v4 =	vld [tilespmem:s22+$0x400]  }
0x46: {  	s21 =	simm.s32 $0x1;
	v5 =	vld [tilespmem:s22+$0x0]  }
0x47: {  	s21 =	simm.s32 @!p0 $0x0;
	v6 =	vld [tilespmem:s22+$0x10]  }
0x48: {  	v0 =	vmov s17;
	s31 =	smul.u32 $0x10400, s21;
	v7 =	vld [tilespmem:s22+$0x20]  }
0x49: {  	v9 =	vld [tilespmem:s22+$0x30]  }
0x4a: {  	s19 =	sshrl.u32 s31, $0x2;
	v10 =	vld [tilespmem:s22+$0x40]  }
0x4b: {  	s19 =	sor.u32 $0x8000, s19;
	v11 =	vld [tilespmem:s22+$0x50]  }
0x4c: {  	v8 =	vld [tilespmem:s22+$0x60];
	s20 =	sadd.s32 $0x0, s19  }
0x4d: {  	v1 =	vld.idx.msk [tilespmem:v0+s18+$0x410 ss:$0x1], $0xffff;
	[tilespmem:s20+$0x2080 ss:$0x41] =	vst.msk $0xffff, v4  }
0x4e: {  	v2 =	vld.idx.msk [tilespmem:v0+s18+$0x420 ss:$0x1], $0xffff;
	[tilespmem:s20+$0x0 ss:$0x41] =	vst.msk $0xffff, v5  }
0x4f: {  	v3 =	vld.idx.msk [tilespmem:v0+s18+$0x430 ss:$0x1], $0xffff;
	[tilespmem:s20+$0x410 ss:$0x41] =	vst.msk $0xffff, v6  }
0x50: {  	s16 =	smul.u32 $0x10400, s16;
	[tilespmem:s20+$0x820 ss:$0x41] =	vst.msk $0xffff, v7;
	v7 =	vld [tilespmem:s22+$0x70]  }
0x51: {  	s23 =	simm.s32 $0x100;
	s24 =	simm.s32 $0x8;
	[tilespmem:s20+$0xC30 ss:$0x41] =	vst.msk $0xffff, v9;
	v4 =	vld.idx.msk [tilespmem:v0+s18+$0x440 ss:$0x1], $0xffff  }
0x52: {  	s25 =	sand.u32 $0x3800, s23;
	s16 =	sshrl.u32 s16, $0x2;
	[tilespmem:s20+$0x1040 ss:$0x41] =	vst.msk $0xffff, v10;
	v5 =	vld.idx.msk [tilespmem:v0+s18+$0x450 ss:$0x1], $0xffff;
	s22 =	simm.s32 $0x80  }
0x53: {  	s21 =	simm.s32 $0x4;
	s16 =	sor.u32 $0x8000, s16;
	[tilespmem:s20+$0x1450 ss:$0x41] =	vst.msk $0xffff, v11;
	v6 =	vld.idx.msk [tilespmem:v0+s18+$0x460 ss:$0x1], $0xffff;
	s26 =	sand.u32 $0x380, s22  }
.LBB1_3:
0x54: {  	p1 =	sne.s32 s24, $0xFC;
	[tilespmem:s20+$0x1860 ss:$0x41] =	vst.msk $0xffff, v8;
	v8 =	vld.idx.msk [tilespmem:v0+s18+$0x470 ss:$0x1], $0xffff;
	s18 =	sor.u32 s26, s25  }
0x55: {  	s25 =	sand.u32 $0x3B00, s18;
	v9 =	vld.idx.msk [tilespmem:v0+s18+$0x410 ss:$0x1], $0xffff;
	[tilespmem:s20+$0x1C70 ss:$0x41] =	vst.msk $0xffff, v7  }
0x56: {  	s26 =	sand.u32 $0x80, s22;
	s25 =	sadd.s32 s25, s17;
	v7 =	vld.idx.msk [tilespmem:v0+s18+$0x420 ss:$0x1], $0xffff;
	[tilespmem:s20+$0x2490 ss:$0x41] =	vst.msk $0xffff, v1  }
0x57: {  	s25 =	sadd.s32 s26, s25;
	v10 =	vld.idx.msk [tilespmem:v0+s18+$0x430 ss:$0x1], $0xffff;
	[tilespmem:s20+$0x28A0 ss:$0x41] =	vst.msk $0xffff, v2  }
0x58: {  	v11 =	vld [tilespmem:s25+$0x400];
	[tilespmem:s20+$0x2CB0 ss:$0x41] =	vst.msk $0xffff, v3  }
0x59: {  	v12 =	vld [tilespmem:s25+$0x0];
	[tilespmem:s20+$0x30C0 ss:$0x41] =	vst.msk $0xffff, v4  }
0x5a: {  	v4 =	vld [tilespmem:s25+$0x10];
	[tilespmem:s20+$0x34D0 ss:$0x41] =	vst.msk $0xffff, v5  }
0x5b: {  	s26 =	sshra.s32 s21, $0x2;
	s21 =	smov.u32 s24;
	v1 =	vmov v9;
	v5 =	vld [tilespmem:s25+$0x20];
	[tilespmem:s20+$0x38E0 ss:$0x41] =	vst.msk $0xffff, v6  }
0x5c: {  	v2 =	vmov v7;
	v6 =	vld [tilespmem:s25+$0x30];
	[tilespmem:s20+$0x3CF0 ss:$0x41] =	vst.msk $0xffff, v8;
	s20 =	sadd.s32 s26, s19  }
0x5d: {  	v3 =	vmov v10;
	v9 =	vld [tilespmem:s25+$0x40];
	[tilespmem:s20+$0x2080 ss:$0x41] =	vst.msk $0xffff, v11  }
0x5e: {  	[tilespmem:s20+$0x0 ss:$0x41] =	vst.msk $0xffff, v12;
	v10 =	vld [tilespmem:s25+$0x50]  }
.Ltmp3:
0x5f: {  	[tilespmem:s20+$0x410 ss:$0x41] =	vst.msk $0xffff, v4;
	v8 =	vld [tilespmem:s25+$0x60];
	(pc) =	sbr.rel @p1 .LBB1_3-.Ltmp3, $4  }
0x60: {  	[tilespmem:s20+$0x820 ss:$0x41] =	vst.msk $0xffff, v5;
	v7 =	vld [tilespmem:s25+$0x70]  }
0x61: {  	[tilespmem:s20+$0xC30 ss:$0x41] =	vst.msk $0xffff, v6;
	v4 =	vld.idx.msk [tilespmem:v0+s18+$0x440 ss:$0x1], $0xffff  }
0x62: {  	s22 =	sadd.s32 $0x80, s22;
	s23 =	sadd.s32 $0x100, s23;
	[tilespmem:s20+$0x1040 ss:$0x41] =	vst.msk $0xffff, v9;
	v5 =	vld.idx.msk [tilespmem:v0+s18+$0x450 ss:$0x1], $0xffff  }
0x63: {  	s24 =	sadd.s32 $0x4, s24;
	s26 =	sand.u32 $0x380, s22;
	s25 =	sand.u32 $0x3800, s23;
	[tilespmem:s20+$0x1450 ss:$0x41] =	vst.msk $0xffff, v10;
	v6 =	vld.idx.msk [tilespmem:v0+s18+$0x460 ss:$0x1], $0xffff  }
.Ltmp4:
0x64: {  	_ = 	snop;
	(pc) =	sbr.rel .LBB1_4-.Ltmp4, $1  }
0x65: {  	_ =	sdelay $0x3  }
.LBB1_6:
0x66: {  	_ =	sfence.sel $0x180000  }
0x67: {  	s1 =	simm.s32 $0x1;
	[bflag:$0x0] =	sbarrier.arrive $0xFFFF  }
0x68: {  	s31 =	simm.s32 $0x2;
	[sflag:s1] =	ssyncpa.u1 $0x1  }
0x69: {  	[sflag:s31] =	ssyncpa.u1 $0x1  }
0x6a: {  	p0 =	sne.s32 s3, $0x0;
	_ =	strace $0x90000047  }
0x6b: {  	s0 =	sadd.s32 @!p0 $0x100000, s0;
	[bflag:$0x2] =	sbarrier.arrive $0xFFFF  }
0x6c: {  	[sflag:s0] =	ssyncadd.tile.s32 @!p0 $0x1;
	_ =	shalt  }
.Lfunc_end1:
_tile_overlayer_lowered:
.L_overlay_start_2:
0x6d: {  	(tag) =	ssettag $0x2  }
0x6e: {  	s0 =	rddreg [dreg:$0x0];
	s2 =	stileid.u32  }
0x6f: {  	s1 =	rddreg [dreg:$0x1];
	p0 =	sne.s32 s2, $0x0  }
0x70: {  	s3 =	rddreg [dreg:$0x2];
	[bflag:$0x3] =	sbarrier.arrive $0xFFFF;
	s2 =	simm.s32 @!p0 $0x1C01  }
0x71: {  	[timem:s3], [sflag:s2] =	dma.local @!p0 [hbm:s0], s1  }
0x72: {  	s0 =	simm.s32 @!p0 $0x1  }
0x73: {  	_ =	swait.ge @!p0 [sflag:s0], s1  }
0x74: {  	s1 =	ssub.s32 @!p0 $0x0, s1;
	[sflag:s0] =	ssyncset.done @!p0 $0x0  }
0x75: {  	[sflag:s0] =	ssyncadd.s32 @!p0 s1  }
0x76: {  	[bflag:$0x3] =	sbarrier.arrive $0xFFFF  }
0x77: {  	_ =	shalt  }

// kernel: sparse-core-data-format-call.2.cloned.1.call-start
scs
called_computation.2_lowered:
.L_overlay_start_0:
0x0: {  	s2 =	sld [smem:$0x3FD9]  }
0x1: {  	s3 =	sld [smem:$0x3FFE];
	_ =	sdelay $0x1  }
0x2: {  	s1 =	srdreg.scid  }
0x3: {  	s0 =	sand.u32 $0x1, s1  }
0x4: {  	s16 =	sshll.u32 s0, $0xA;
	s2 =	sadd.s32 s3, s2  }
0x5: {  	s2 =	sadd.s32 s2, s16  }
0x6: {  	[smem:$0x3FB5] =	sst s2  }
0x7: {  	_ = 	snop  }
0x8: {  	s2 =	sld [smem:$0x3FD0];
	_ =	sdelay $0x2  }
0x9: {  	s17 =	simm.s32 $0xC;
	s4 =	simm.s32 $0x10  }
0xa: {  	[smem:s4], [sflag:s17] =	dma.local [hbm:s2], $0x1  }
0xb: {  	_ =	swait.eq [sflag:s17], $0x1  }
0xc: {  	[sflag:s17] =	ssyncset.done $0x0  }
0xd: {  	[sflag:s17] =	ssyncadd.s32 $0xFFFFFFFF  }
0xe: {  	s18 =	sld [smem:$0x12];
	(tm) =	ssettm $0x1  }
0xf: {  	s19 =	sld [smem:$0x3FFB];
	_ =	sdelay $0x3  }
0x10: {  	_ =	strace s19  }
0x11: {  	s2 =	sld [smem:$0x3FFC];
	_ =	sdelay $0x3  }
0x12: {  	_ =	strace s2  }
0x13: {  	s2 =	sld [smem:$0x3FFD];
	_ =	sdelay $0x3  }
0x14: {  	_ =	strace s2  }
0x15: {  	_ =	strace $0x8FFFFFFF  }
0x16: {  	s20 =	sld [smem:$0x3FDB];
	_ =	sdelay $0x1  }
0x17: {  	s21 =	simm.s32 $_scs_section_size  }
0x18: {  	s5 =	simm.s32 $_size__tile_overlayer_lowered;
	s6 =	simm.s32 $_tile_overlayer_lowered  }
0x19: {  	s7 =	simm.s32 $0x1BFF;
	s22 =	sshll.u32 s6, $0x1;
	s4 =	sadd.s32 s21, s20  }
0x1a: {  	s23 =	simm.s32 $0x0;
	s5 =	sshll.u32 s5, $0x1;
	s6 =	sadd.s32 s22, s4  }
0x1b: {  	[timem:s23], [sflag:s7] =	dma.local [hbm:s6], s5  }
0x1c: {  	_ =	swait.ge [sflag:s7], s5  }
0x1d: {  	s5 =	ssub.s32 $0x0, s5;
	[sflag:s7] =	ssyncset.done $0x0  }
0x1e: {  	[sflag:s7] =	ssyncadd.s32 s5;
	_ =	sdelay $0x1  }
0x1f: {  	s24 =	simm.s32 $0x1B8B  }
0x20: {  	_ =	swait.ge [sflag:s24], $0x1  }
0x21: {  	[sflag:s24] =	ssyncset.done $0x0  }
0x22: {  	[sflag:s24] =	ssyncadd.s32 $0xFFFFFFFF  }
0x23: {  	s5 =	sld [smem:$0x0]  }
0x24: {  	s6 =	sand.u32 $0xFFFFFFFE, s1  }
0x25: {  	p0 =	sne.s32 s1, s6  }
0x26: {  	s6 =	sshll.u32 @p0 s6, $0xE  }
0x27: {  	s6 =	sadd.s32 @p0 $0x11B8D, s6;
	s7 =	sshll.u32 @p0 s5, $0x11  }
0x28: {  	s6 =	sor.u32 @p0 s7, s6  }
0x29: {  	[sflag:s6] =	ssyncadd.remote.s32 @p0 $0x1;
	_ =	sdelay $0x1  }
0x2a: {  	s6 =	simm.s32 @p0 $0x1B8D  }
0x2b: {  	_ =	swait.eq @p0 [sflag:s6], $0x1  }
0x2c: {  	[sflag:s6] =	ssyncadd.s32 @p0 $0xFFFFFFFF  }
0x2d: {  	s7 =	sshll.u32 @!p0 s1, $0xE  }
0x2e: {  	s7 =	sor.u32 @!p0 $0x4000, s7;
	s6 =	simm.s32 @!p0 $0x1B8D  }
0x2f: {  	s5 =	sshll.u32 @!p0 s5, $0x11;
	s7 =	sadd.s32 @!p0 $0x11B8D, s7;
	_ =	swait.eq @!p0 [sflag:s6], $0x1  }
0x30: {  	s5 =	sor.u32 @!p0 s5, s7;
	[sflag:s6] =	ssyncadd.s32 @!p0 $0xFFFFFFFF  }
0x31: {  	s26 =	simm.s32 $0x1B8E;
	s25 =	sld [smem:$0x3FFE];
	[sflag:s5] =	ssyncadd.remote.s32 @!p0 $0x1  }
0x32: {  	s27 =	simm.s32 $execute0_lowered;
	[smem:$0x3FD2] =	sst s26  }
0x33: {  	s6 =	sshll.u32 s27, $0x1;
	_ =	strace $0x8000004C;
	[dreg:$0x1] =	wrdreg $0xFFFFFFFF  }
0x34: {  	s28 =	simm.s32 $_size_execute0_lowered;
	s4 =	sadd.s32 s4, s6;
	[dreg:$0x0] =	wrdreg $0x0  }
0x35: {  	s6 =	sshll.u32 s28, $0x1;
	[dreg:$0x2] =	wrdreg s4  }
0x36: {  	[dreg:$0x3] =	wrdreg s6  }
0x37: {  	[dreg:$0x4] =	wrdreg $0xC0  }
0x38: {  	_ =	task [dreg:s23], $0x5FFFF  }
0x39: {  	[dreg:$0x1] =	wrdreg $0xFFFFFFFF  }
0x3a: {  	[dreg:$0x0] =	wrdreg $0x60  }
0x3b: {  	[dreg:$0x2] =	wrdreg s18  }
0x3c: {  	[dreg:$0x3] =	wrdreg s25  }
0x3d: {  	[dreg:$0x4] =	wrdreg $0xA  }
0x3e: {  	_ =	task.clear_ibuf [dreg:s23], $0x5FFFF;
	_ =	strace $0x9000004C  }
0x3f: {  	s29 =	simm.s32 $0xA;
	_ =	strace $0x8000004E  }
0x40: {  	_ =	swait.ge [sflag:s29], $0x1  }
0x41: {  	[sflag:s29] =	ssyncadd.s32 $0xFFFFFFFF  }
0x42: {  	_ =	strace $0x9000004E  }
0x43: {  	_ =	sfence  }
0x44: {  	s30 =	sld [smem:$0x0];
	_ =	sdelay $0x2  }
0x45: {  	s31 =	sshll.u32 s1, $0xD;
	s1 =	sshrl.u32 s1, $0x2  }
0x46: {  	s4 =	sand.u32 $0x4000, s31;
	s1 =	sadd.s32 s1, s30  }
0x47: {  	s0 =	sor.u32 s4, s0;
	s1 =	sshll.u32 s1, $0x11  }
0x48: {  	s0 =	sor.u32 s1, s0  }
0x49: {  	s0 =	sadd.s32 $0x8F2B, s0  }
0x4a: {  	[sflag:s0] =	ssyncadd.remote.s32 $0x1  }
0x4b: {  	_ =	sfence.sel $0xFFFF  }
0x4c: {  	[dreg:$0x0] =	wrdreg $0xFFFFFFFF;
	(pc) =	sbr.abs _section_cstart, $3  }
0x4d: {  	[dreg:$0x1] =	wrdreg $0xFFFFFFFF  }
0x4e: {  	_ =	task.clear_ibuf [dreg:s23], $0x2FFFF;
	_ =	strace $0x9FFFFFFF  }
0x4f: {  	(tm) =	ssettm $0x7FFFFFFF  }
tec
execute0_lowered:
.L_overlay_start_1:
0x0: {  	(tag) =	ssettag $0x1  }
0x1: {  	s1 =	rddreg [dreg:$0x0];
	s0 =	srdreg.scid  }
0x2: {  	s3 =	rddreg [dreg:$0x1];
	s4 =	simm.s32 $0x1;
	s7 =	simm.s32 $0x2  }
0x3: {  	s15 =	simm.s32 $0x0;
	p0 =	por $0x0, $0x0;
	s13 =	simm.s32 $0x0  }
0x4: {  	s14 =	simm.s32 $0x0;
	s10 =	simm.s32 $0x0;
	s2 =	sshll.u32 s0, $0x8  }
0x5: {  	s11 =	stileid.u32;
	s12 =	simm.s32 $0x0;
	s2 =	sand.u32 $0x100, s2  }
.Ltmp0:
0x6: {  	s0 =	rddreg [dreg:$0x2];
	s6 =	ssub.s32 $0x2000, s2;
	(pc) =	sbr.rel .LBB1_1-.Ltmp0, $4  }
0x7: {  	_ =	strace $0x8000004D;
	s5 =	sadd.s32 $0x723A00, s3;
	s31 =	sshrl.u32 s6, $0x8  }
0x8: {  	[sflag:s4] =	ssyncpa.u1 $0x0;
	s6 =	sshrl.u32 s6, $0x9;
	s8 =	sand.u32 $0x1, s31  }
0x9: {  	s3 =	stileid.u32;
	[sflag:s7] =	ssyncpa.u1 $0x0;
	s6 =	sadd.s32 s6, s8  }
0xa: {  	s9 =	smov.u32 s2;
	s8 =	simm.s32 $0x80;
	s7 =	sadd.s32 $0x1, s6  }
.LBB1_4:
0xb: {  	_ = 	snop  }
0xc: {  	[tilespmem:s20+$0x1860 ss:$0x41] =	vst.msk $0xffff, v8  }
0xd: {  	[tilespmem:s20+$0x1C70 ss:$0x41] =	vst.msk $0xffff, v7  }
0xe: {  	[tilespmem:s20+$0x2490 ss:$0x41] =	vst.msk $0xffff, v1  }
0xf: {  	s23 =	sor.u32 s26, s25;
	v47 =	vld.idx.msk [tilespmem:v0+s18+$0x470 ss:$0x1], $0xffff;
	[tilespmem:s20+$0x28A0 ss:$0x41] =	vst.msk $0xffff, v2  }
0x10: {  	[tilespmem:s20+$0x2CB0 ss:$0x41] =	vst.msk $0xffff, v3;
	v57 =	vld.idx.msk [tilespmem:v0+s23+$0x410 ss:$0x1], $0xffff  }
0x11: {  	[tilespmem:s20+$0x30C0 ss:$0x41] =	vst.msk $0xffff, v4;
	v58 =	vld.idx.msk [tilespmem:v0+s23+$0x420 ss:$0x1], $0xffff  }
0x12: {  	[tilespmem:s20+$0x34D0 ss:$0x41] =	vst.msk $0xffff, v5;
	v59 =	vld.idx.msk [tilespmem:v0+s23+$0x430 ss:$0x1], $0xffff  }
0x13: {  	s27 =	sshra.s32 s21, $0x2;
	[tilespmem:s20+$0x38E0 ss:$0x41] =	vst.msk $0xffff, v6;
	v60 =	vld.idx.msk [tilespmem:v0+s23+$0x440 ss:$0x1], $0xffff  }
0x14: {  	s24 =	sand.u32 $0x3B00, s23;
	s18 =	sadd.s32 s27, s19;
	v61 =	vld.idx.msk [tilespmem:v0+s23+$0x450 ss:$0x1], $0xffff;
	[tilespmem:s20+$0x3CF0 ss:$0x41] =	vst.msk $0xffff, v47  }
0x15: {  	s22 =	sand.u32 $0x80, s22;
	v62 =	vld.idx.msk [tilespmem:v0+s23+$0x460 ss:$0x1], $0xffff;
	s17 =	sadd.s32 s24, s17;
	[tilespmem:s18+$0x2490 ss:$0x41] =	vst.msk $0xffff, v57  }
0x16: {  	v63 =	vld.idx.msk [tilespmem:v0+s23+$0x470 ss:$0x1], $0xffff;
	s17 =	sadd.s32 s22, s17;
	[tilespmem:s18+$0x28A0 ss:$0x41] =	vst.msk $0xffff, v58  }
0x17: {  	v48 =	vld [tilespmem:s17+$0x400];
	[tilespmem:s18+$0x2CB0 ss:$0x41] =	vst.msk $0xffff, v59  }
0x18: {  	v49 =	vld [tilespmem:s17+$0x0];
	[tilespmem:s18+$0x30C0 ss:$0x41] =	vst.msk $0xffff, v60  }
0x19: {  	v50 =	vld [tilespmem:s17+$0x10];
	[tilespmem:s18+$0x34D0 ss:$0x41] =	vst.msk $0xffff, v61  }
0x1a: {  	v51 =	vld [tilespmem:s17+$0x20];
	[tilespmem:s18+$0x38E0 ss:$0x41] =	vst.msk $0xffff, v62  }
0x1b: {  	v52 =	vld [tilespmem:s17+$0x30];
	[tilespmem:s18+$0x3CF0 ss:$0x41] =	vst.msk $0xffff, v63  }
0x1c: {  	v53 =	vld [tilespmem:s17+$0x40];
	[tilespmem:s18+$0x2080 ss:$0x41] =	vst.msk $0xffff, v48  }
0x1d: {  	v54 =	vld [tilespmem:s17+$0x50];
	[tilespmem:s18+$0x0 ss:$0x41] =	vst.msk $0xffff, v49  }
0x1e: {  	s15 =	sshll.u32 s15, $0x7;
	s28 =	sshll.u32 s13, $0x3;
	v55 =	vld [tilespmem:s17+$0x60];
	[tilespmem:s18+$0x410 ss:$0x41] =	vst.msk $0xffff, v50  }
0x1f: {  	s29 =	sand.u32 $0xFFC00, s15;
	v56 =	vld [tilespmem:s17+$0x70];
	s17 =	sand.u32 $0xFFC00, s28;
	[tilespmem:s18+$0x820 ss:$0x41] =	vst.msk $0xffff, v51  }
0x20: {  	s14 =	sshll.u32 s14, $0x11;
	s15 =	sand.u32 $0x380, s15;
	s17 =	sadd.s32 s17, s29;
	[tilespmem:s18+$0xC30 ss:$0x41] =	vst.msk $0xffff, v52  }
0x21: {  	s30 =	sshrl.u32 s13, $0x3;
	s31 =	sand.u32 $0x7, s13;
	s15 =	sor.u32 s15, s17;
	[tilespmem:s18+$0x1040 ss:$0x41] =	vst.msk $0xffff, v53  }
0x22: {  	s14 =	sadd.s32 s5, s14;
	s17 =	sand.u32 $0xF, s30;
	s15 =	sshrl.u32 s15, $0x3;
	[tilespmem:s18+$0x1450 ss:$0x41] =	vst.msk $0xffff, v54  }
0x23: {  	s13 =	sshll.u32 s31, $0x12;
	s14 =	sadd.s32 s17, s14;
	s15 =	sand.u32 $0x1FFF0, s15;
	[tilespmem:s18+$0x1860 ss:$0x41] =	vst.msk $0xffff, v55  }
0x24: {  	s13 =	sor.u32 $0x40, s13;
	[tilespmem:s18+$0x1C70 ss:$0x41] =	vst.msk $0xffff, v56;
	s14 =	sadd.s32 s15, s14  }
0x25: {  	[hbm4b:s14+s13] =	stream.strided.scatter [tilespmem:s16], [sflag:$0x2], $0x4000, s8, s13, $0x18;
	[tilespmem:$0x10200] =	vst v63  }
.LBB1_5:
0x26: {  	s16 =	sadd.s32 $0x200, s9  }
0x27: {  	s13 =	sadd.s32 $0x40, s10;
	s17 =	smov.u32 s10;
	p2 =	sgt.s32 s16, $0x1FFF  }
0x28: {  	s17 =	smov.u32 @p2 s13  }
0x29: {  	s19 =	smov.u32 s11;
	s13 =	sadd.s32 $0x10, s11;
	p3 =	sgt.s32 s17, $0x3F  }
0x2a: {  	s19 =	smov.u32 @p3 s13  }
0x2b: {  	s16 =	smov.u32 @p2 s2;
	p2 =	sgt.s32 s19, $0xF  }
0x2c: {  	p1 =	slt.u32 s12, $0x2;
	s19 =	smov.u32 @p2 s3;
	p2 =	sne.s32 s12, s7  }
.Ltmp1:
0x2d: {  	s18 =	simm.s32 @!p1 $0x2;
	(pc) =	sbr.rel @!p2 .LBB1_6-.Ltmp1, $4  }
0x2e: {  	s15 =	smov.u32 s9;
	s14 =	smov.u32 s11;
	_ =	swait.ge @!p1 [sflag:s18], $0x4000  }
0x2f: {  	p0 =	por !p0, !p0;
	[sflag:s18] =	ssyncset.done @!p1 $0x0;
	s9 =	smov.u32 s16  }
0x30: {  	s17 =	simm.s32 @p3 $0x0;
	s13 =	smov.u32 s10;
	[sflag:s18] =	ssyncadd.s32 @!p1 $0xFFFFC000  }
0x31: {  	s10 =	smov.u32 s17;
	s12 =	sadd.s32 $0x1, s12;
	s11 =	smov.u32 s19  }
.LBB1_1:
0x32: {  	p1 =	sge.u32 s12, s6;
	s31 =	sadd.s32 $0xFFFFFFFF, s12  }
0x33: {  	s16 =	sxor.u32 @!p1 $0xFFFFFFFF, s12;
	s17 =	sand.u32 @!p1 $0x78, s9;
	s18 =	sshll.u32 @!p1 s10, $0xD  }
0x34: {  	s19 =	sshll.u32 @!p1 s10, $0x7;
	s20 =	sshll.u32 @!p1 s9, $0x3;
	s16 =	sshll.u32 @!p1 s16, $0xE  }
0x35: {  	s18 =	sand.u32 @!p1 $0x70000, s18;
	s19 =	sand.u32 @!p1 $0x380, s19;
	s16 =	sand.u32 @!p1 $0x4000, s16  }
0x36: {  	s18 =	sadd.s32 @!p1 s18, s20;
	s20 =	sand.u32 @!p1 $0x1C00, s20;
	s17 =	sor.u32 @!p1 s19, s17  }
0x37: {  	s19 =	sshll.u32 @!p1 s11, $0x10;
	s17 =	sor.u32 @!p1 s20, s17;
	s18 =	sshrl.u32 @!p1 s18, $0x3  }
0x38: {  	s19 =	sadd.s32 @!p1 s1, s19;
	s20 =	sand.u32 @!p1 $0x7, s9;
	s18 =	sand.u32 @!p1 $0xFC00, s18  }
0x39: {  	s17 =	sshrl.u32 @!p1 s17, $0x3;
	s18 =	sadd.s32 @!p1 s18, s19;
	s19 =	sshll.u32 @!p1 s20, $0x12  }
0x3a: {  	s17 =	sadd.s32 @!p1 s17, s18;
	s18 =	sor.u32 @!p1 $0x800, s19;
	s19 =	simm.s32 @!p1 $0x10000  }
0x3b: {  	[tilespmem:s16], [sflag:$0x1] =	stream.strided.gather @!p1 [hbm4b:s17+s18], $0x4000, s19, s18, $0x38;
	[tilespmem:$0x10200] =	vst v63  }
0x3c: {  	p1 =	sge.u32 s31, s6  }
.Ltmp2:
0x3d: {  	_ = 	snop;
	(pc) =	sbr.rel @p1 .LBB1_5-.Ltmp2, $1  }
0x3e: {  	_ =	sdelay $0x3  }
0x3f: {  	s19 =	simm.s32 $0x0  }
0x40: {  	s18 =	sand.u32 $0x3800, s19;
	s20 =	sand.u32 $0x380, s19  }
0x41: {  	s16 =	sand.u32 $0x1, s12;
	s18 =	sor.u32 s20, s18  }
0x42: {  	_ =	swait.ge [sflag:s4], $0x4000;
	s17 =	sshll.u32 s16, $0xE;
	s20 =	sand.u32 $0x3B00, s18  }
0x43: {  	[sflag:s4] =	ssyncset.done $0x0;
	s19 =	sand.u32 $0x80, s19;
	s20 =	sadd.s32 s20, s17  }
0x44: {  	[sflag:s4] =	ssyncadd.s32 $0xFFFFC000;
	s22 =	sadd.s32 s19, s20  }
0x45: {  	v4 =	vld [tilespmem:s22+$0x400]  }
0x46: {  	s21 =	simm.s32 $0x1;
	v5 =	vld [tilespmem:s22+$0x0]  }
0x47: {  	s21 =	simm.s32 @!p0 $0x0;
	v6 =	vld [tilespmem:s22+$0x10]  }
0x48: {  	v0 =	vmov s17;
	s31 =	smul.u32 $0x10400, s21;
	v7 =	vld [tilespmem:s22+$0x20]  }
0x49: {  	v9 =	vld [tilespmem:s22+$0x30]  }
0x4a: {  	s19 =	sshrl.u32 s31, $0x2;
	v10 =	vld [tilespmem:s22+$0x40]  }
0x4b: {  	s19 =	sor.u32 $0x8000, s19;
	v11 =	vld [tilespmem:s22+$0x50]  }
0x4c: {  	v8 =	vld [tilespmem:s22+$0x60];
	s20 =	sadd.s32 $0x0, s19  }
0x4d: {  	v1 =	vld.idx.msk [tilespmem:v0+s18+$0x410 ss:$0x1], $0xffff;
	[tilespmem:s20+$0x2080 ss:$0x41] =	vst.msk $0xffff, v4  }
0x4e: {  	v2 =	vld.idx.msk [tilespmem:v0+s18+$0x420 ss:$0x1], $0xffff;
	[tilespmem:s20+$0x0 ss:$0x41] =	vst.msk $0xffff, v5  }
0x4f: {  	v3 =	vld.idx.msk [tilespmem:v0+s18+$0x430 ss:$0x1], $0xffff;
	[tilespmem:s20+$0x410 ss:$0x41] =	vst.msk $0xffff, v6  }
0x50: {  	s16 =	smul.u32 $0x10400, s16;
	[tilespmem:s20+$0x820 ss:$0x41] =	vst.msk $0xffff, v7;
	v7 =	vld [tilespmem:s22+$0x70]  }
0x51: {  	s23 =	simm.s32 $0x100;
	s24 =	simm.s32 $0x8;
	[tilespmem:s20+$0xC30 ss:$0x41] =	vst.msk $0xffff, v9;
	v4 =	vld.idx.msk [tilespmem:v0+s18+$0x440 ss:$0x1], $0xffff  }
0x52: {  	s25 =	sand.u32 $0x3800, s23;
	s16 =	sshrl.u32 s16, $0x2;
	[tilespmem:s20+$0x1040 ss:$0x41] =	vst.msk $0xffff, v10;
	v5 =	vld.idx.msk [tilespmem:v0+s18+$0x450 ss:$0x1], $0xffff;
	s22 =	simm.s32 $0x80  }
0x53: {  	s21 =	simm.s32 $0x4;
	s16 =	sor.u32 $0x8000, s16;
	[tilespmem:s20+$0x1450 ss:$0x41] =	vst.msk $0xffff, v11;
	v6 =	vld.idx.msk [tilespmem:v0+s18+$0x460 ss:$0x1], $0xffff;
	s26 =	sand.u32 $0x380, s22  }
.LBB1_3:
0x54: {  	p1 =	sne.s32 s24, $0xFC;
	[tilespmem:s20+$0x1860 ss:$0x41] =	vst.msk $0xffff, v8;
	v8 =	vld.idx.msk [tilespmem:v0+s18+$0x470 ss:$0x1], $0xffff;
	s18 =	sor.u32 s26, s25  }
0x55: {  	s25 =	sand.u32 $0x3B00, s18;
	v9 =	vld.idx.msk [tilespmem:v0+s18+$0x410 ss:$0x1], $0xffff;
	[tilespmem:s20+$0x1C70 ss:$0x41] =	vst.msk $0xffff, v7  }
0x56: {  	s26 =	sand.u32 $0x80, s22;
	s25 =	sadd.s32 s25, s17;
	v7 =	vld.idx.msk [tilespmem:v0+s18+$0x420 ss:$0x1], $0xffff;
	[tilespmem:s20+$0x2490 ss:$0x41] =	vst.msk $0xffff, v1  }
0x57: {  	s25 =	sadd.s32 s26, s25;
	v10 =	vld.idx.msk [tilespmem:v0+s18+$0x430 ss:$0x1], $0xffff;
	[tilespmem:s20+$0x28A0 ss:$0x41] =	vst.msk $0xffff, v2  }
0x58: {  	v11 =	vld [tilespmem:s25+$0x400];
	[tilespmem:s20+$0x2CB0 ss:$0x41] =	vst.msk $0xffff, v3  }
0x59: {  	v12 =	vld [tilespmem:s25+$0x0];
	[tilespmem:s20+$0x30C0 ss:$0x41] =	vst.msk $0xffff, v4  }
0x5a: {  	v4 =	vld [tilespmem:s25+$0x10];
	[tilespmem:s20+$0x34D0 ss:$0x41] =	vst.msk $0xffff, v5  }
0x5b: {  	s26 =	sshra.s32 s21, $0x2;
	s21 =	smov.u32 s24;
	v1 =	vmov v9;
	v5 =	vld [tilespmem:s25+$0x20];
	[tilespmem:s20+$0x38E0 ss:$0x41] =	vst.msk $0xffff, v6  }
0x5c: {  	v2 =	vmov v7;
	v6 =	vld [tilespmem:s25+$0x30];
	[tilespmem:s20+$0x3CF0 ss:$0x41] =	vst.msk $0xffff, v8;
	s20 =	sadd.s32 s26, s19  }
0x5d: {  	v3 =	vmov v10;
	v9 =	vld [tilespmem:s25+$0x40];
	[tilespmem:s20+$0x2080 ss:$0x41] =	vst.msk $0xffff, v11  }
0x5e: {  	[tilespmem:s20+$0x0 ss:$0x41] =	vst.msk $0xffff, v12;
	v10 =	vld [tilespmem:s25+$0x50]  }
.Ltmp3:
0x5f: {  	[tilespmem:s20+$0x410 ss:$0x41] =	vst.msk $0xffff, v4;
	v8 =	vld [tilespmem:s25+$0x60];
	(pc) =	sbr.rel @p1 .LBB1_3-.Ltmp3, $4  }
0x60: {  	[tilespmem:s20+$0x820 ss:$0x41] =	vst.msk $0xffff, v5;
	v7 =	vld [tilespmem:s25+$0x70]  }
0x61: {  	[tilespmem:s20+$0xC30 ss:$0x41] =	vst.msk $0xffff, v6;
	v4 =	vld.idx.msk [tilespmem:v0+s18+$0x440 ss:$0x1], $0xffff  }
0x62: {  	s22 =	sadd.s32 $0x80, s22;
	s23 =	sadd.s32 $0x100, s23;
	[tilespmem:s20+$0x1040 ss:$0x41] =	vst.msk $0xffff, v9;
	v5 =	vld.idx.msk [tilespmem:v0+s18+$0x450 ss:$0x1], $0xffff  }
0x63: {  	s24 =	sadd.s32 $0x4, s24;
	s26 =	sand.u32 $0x380, s22;
	s25 =	sand.u32 $0x3800, s23;
	[tilespmem:s20+$0x1450 ss:$0x41] =	vst.msk $0xffff, v10;
	v6 =	vld.idx.msk [tilespmem:v0+s18+$0x460 ss:$0x1], $0xffff  }
.Ltmp4:
0x64: {  	_ = 	snop;
	(pc) =	sbr.rel .LBB1_4-.Ltmp4, $1  }
0x65: {  	_ =	sdelay $0x3  }
.LBB1_6:
0x66: {  	_ =	sfence.sel $0x180000  }
0x67: {  	s1 =	simm.s32 $0x1;
	[bflag:$0x0] =	sbarrier.arrive $0xFFFF  }
0x68: {  	s31 =	simm.s32 $0x2;
	[sflag:s1] =	ssyncpa.u1 $0x1  }
0x69: {  	[sflag:s31] =	ssyncpa.u1 $0x1  }
0x6a: {  	p0 =	sne.s32 s3, $0x0;
	_ =	strace $0x9000004D  }
0x6b: {  	s0 =	sadd.s32 @!p0 $0x100000, s0;
	[bflag:$0x2] =	sbarrier.arrive $0xFFFF  }
0x6c: {  	[sflag:s0] =	ssyncadd.tile.s32 @!p0 $0x1;
	_ =	shalt  }
.Lfunc_end1:
_tile_overlayer_lowered:
.L_overlay_start_2:
0x6d: {  	(tag) =	ssettag $0x2  }
0x6e: {  	s0 =	rddreg [dreg:$0x0];
	s2 =	stileid.u32  }
0x6f: {  	s1 =	rddreg [dreg:$0x1];
	p0 =	sne.s32 s2, $0x0  }
0x70: {  	s3 =	rddreg [dreg:$0x2];
	[bflag:$0x3] =	sbarrier.arrive $0xFFFF;
	s2 =	simm.s32 @!p0 $0x1C01  }
0x71: {  	[timem:s3], [sflag:s2] =	dma.local @!p0 [hbm:s0], s1  }
0x72: {  	s0 =	simm.s32 @!p0 $0x1  }
0x73: {  	_ =	swait.ge @!p0 [sflag:s0], s1  }
0x74: {  	s1 =	ssub.s32 @!p0 $0x0, s1;
	[sflag:s0] =	ssyncset.done @!p0 $0x0  }
0x75: {  	[sflag:s0] =	ssyncadd.s32 @!p0 s1  }
0x76: {  	[bflag:$0x3] =	sbarrier.arrive $0xFFFF  }
0x77: {  	_ =	shalt  }

// kernel: sparse-core-data-format-call.3.cloned.1.call-start
scs
called_computation.3_lowered:
.L_overlay_start_0:
0x0: {  	s2 =	sld [smem:$0x3FD9]  }
0x1: {  	s3 =	sld [smem:$0x3FFE];
	_ =	sdelay $0x1  }
0x2: {  	s1 =	srdreg.scid  }
0x3: {  	s0 =	sand.u32 $0x1, s1  }
0x4: {  	s18 =	sshll.u32 s0, $0xA;
	s2 =	sadd.s32 s3, s2  }
0x5: {  	s2 =	sadd.s32 s2, s18  }
0x6: {  	[smem:$0x3FB5] =	sst s2  }
0x7: {  	_ = 	snop  }
0x8: {  	(tm) =	ssettm $0x1  }
0x9: {  	s19 =	sld [smem:$0x3FFB];
	_ =	sdelay $0x3  }
0xa: {  	_ =	strace s19  }
0xb: {  	s2 =	sld [smem:$0x3FFC];
	_ =	sdelay $0x3  }
0xc: {  	_ =	strace s2  }
0xd: {  	s2 =	sld [smem:$0x3FFD];
	_ =	sdelay $0x3  }
0xe: {  	_ =	strace s2  }
0xf: {  	_ =	strace $0x8FFFFFFF  }
0x10: {  	s20 =	sld [smem:$0x3FDB];
	_ =	sdelay $0x1  }
0x11: {  	s21 =	simm.s32 $_scs_section_size  }
0x12: {  	s4 =	simm.s32 $_size__tile_overlayer_lowered;
	s5 =	simm.s32 $_tile_overlayer_lowered  }
0x13: {  	s6 =	simm.s32 $0x1BFF;
	s22 =	sshll.u32 s5, $0x1;
	s3 =	sadd.s32 s21, s20  }
0x14: {  	s23 =	simm.s32 $0x0;
	s4 =	sshll.u32 s4, $0x1;
	s5 =	sadd.s32 s22, s3  }
0x15: {  	[timem:s23], [sflag:s6] =	dma.local [hbm:s5], s4  }
0x16: {  	_ =	swait.ge [sflag:s6], s4  }
0x17: {  	s4 =	ssub.s32 $0x0, s4;
	[sflag:s6] =	ssyncset.done $0x0  }
0x18: {  	[sflag:s6] =	ssyncadd.s32 s4;
	_ =	sdelay $0x1  }
0x19: {  	s24 =	simm.s32 $0x1B8B  }
0x1a: {  	_ =	swait.ge [sflag:s24], $0x1  }
0x1b: {  	[sflag:s24] =	ssyncset.done $0x0  }
0x1c: {  	[sflag:s24] =	ssyncadd.s32 $0xFFFFFFFF  }
0x1d: {  	s4 =	sld [smem:$0x0]  }
0x1e: {  	s5 =	sand.u32 $0xFFFFFFFE, s1  }
0x1f: {  	p0 =	sne.s32 s1, s5  }
0x20: {  	s5 =	sshll.u32 @p0 s5, $0xE  }
0x21: {  	s5 =	sadd.s32 @p0 $0x11B8D, s5;
	s6 =	sshll.u32 @p0 s4, $0x11  }
0x22: {  	s5 =	sor.u32 @p0 s6, s5  }
0x23: {  	[sflag:s5] =	ssyncadd.remote.s32 @p0 $0x1;
	_ =	sdelay $0x1  }
0x24: {  	s5 =	simm.s32 @p0 $0x1B8D  }
0x25: {  	_ =	swait.eq @p0 [sflag:s5], $0x1  }
0x26: {  	[sflag:s5] =	ssyncadd.s32 @p0 $0xFFFFFFFF  }
0x27: {  	s6 =	sshll.u32 @!p0 s1, $0xE  }
0x28: {  	s6 =	sor.u32 @!p0 $0x4000, s6;
	s5 =	simm.s32 @!p0 $0x1B8D  }
0x29: {  	s4 =	sshll.u32 @!p0 s4, $0x11;
	s6 =	sadd.s32 @!p0 $0x11B8D, s6;
	_ =	swait.eq @!p0 [sflag:s5], $0x1  }
0x2a: {  	s4 =	sor.u32 @!p0 s4, s6;
	[sflag:s5] =	ssyncadd.s32 @!p0 $0xFFFFFFFF  }
0x2b: {  	s26 =	simm.s32 $0x1B8E;
	s25 =	sld [smem:$0x3FFE];
	[sflag:s4] =	ssyncadd.remote.s32 @!p0 $0x1  }
0x2c: {  	s27 =	simm.s32 $execute0_lowered;
	[smem:$0x3FD2] =	sst s26  }
0x2d: {  	s5 =	sshll.u32 s27, $0x1;
	_ =	strace $0x80000049;
	[dreg:$0x1] =	wrdreg $0xFFFFFFFF  }
0x2e: {  	s28 =	simm.s32 $_size_execute0_lowered;
	s3 =	sadd.s32 s3, s5;
	[dreg:$0x0] =	wrdreg $0x0  }
0x2f: {  	s5 =	sshll.u32 s28, $0x1;
	[dreg:$0x2] =	wrdreg s3  }
0x30: {  	[dreg:$0x3] =	wrdreg s5  }
0x31: {  	[dreg:$0x4] =	wrdreg $0xC0  }
0x32: {  	_ =	task [dreg:s23], $0x5FFFF  }
0x33: {  	[dreg:$0x1] =	wrdreg $0xFFFFFFFF  }
0x34: {  	[dreg:$0x0] =	wrdreg $0x60  }
0x35: {  	[dreg:$0x2] =	wrdreg s25  }
0x36: {  	[dreg:$0x3] =	wrdreg $0xB  }
0x37: {  	_ =	task.clear_ibuf [dreg:s23], $0x4FFFF;
	_ =	strace $0x90000049  }
0x38: {  	s29 =	simm.s32 $0xB;
	_ =	strace $0x8000004B  }
0x39: {  	_ =	swait.ge [sflag:s29], $0x1  }
0x3a: {  	[sflag:s29] =	ssyncadd.s32 $0xFFFFFFFF  }
0x3b: {  	_ =	strace $0x9000004B  }
0x3c: {  	_ =	sfence  }
0x3d: {  	s30 =	sld [smem:$0x0];
	_ =	sdelay $0x2  }
0x3e: {  	s31 =	sshll.u32 s1, $0xD;
	s1 =	sshrl.u32 s1, $0x2  }
0x3f: {  	s4 =	sand.u32 $0x4000, s31;
	s1 =	sadd.s32 s1, s30  }
0x40: {  	s0 =	sor.u32 s4, s0;
	s1 =	sshll.u32 s1, $0x11  }
0x41: {  	s0 =	sor.u32 s1, s0  }
0x42: {  	s0 =	sadd.s32 $0x8F2B, s0  }
0x43: {  	[sflag:s0] =	ssyncadd.remote.s32 $0x1  }
0x44: {  	_ =	sfence.sel $0xFFFF  }
0x45: {  	[dreg:$0x0] =	wrdreg $0xFFFFFFFF;
	(pc) =	sbr.abs _section_cstart, $3  }
0x46: {  	[dreg:$0x1] =	wrdreg $0xFFFFFFFF  }
0x47: {  	_ =	task.clear_ibuf [dreg:s23], $0x2FFFF;
	_ =	strace $0x9FFFFFFF  }
0x48: {  	(tm) =	ssettm $0x7FFFFFFF  }
0x49: {  	_ =	shalt  }
tec
execute0_lowered:
.L_overlay_start_1:
0x0: {  	(tag) =	ssettag $0x1  }
0x1: {  	s3 =	rddreg [dreg:$0x0];
	s1 =	srdreg.scid  }
0x2: {  	s0 =	rddreg [dreg:$0x1];
	_ =	strace $0x8000004A;
	s4 =	simm.s32 $0x1  }
0x3: {  	s7 =	simm.s32 $0x2;
	s15 =	simm.s32 $0x0;
	p0 =	por $0x0, $0x0  }
0x4: {  	s13 =	simm.s32 $0x0;
	s14 =	simm.s32 $0x0;
	s1 =	sshll.u32 s1, $0x8  }
0x5: {  	s10 =	simm.s32 $0x0;
	s11 =	stileid.u32;
	s1 =	sand.u32 $0x100, s1  }
.Ltmp0:
0x6: {  	s12 =	simm.s32 $0x0;
	s6 =	ssub.s32 $0x2000, s1;
	(pc) =	sbr.rel .LBB1_1-.Ltmp0, $4  }
0x7: {  	s2 =	sadd.s32 $0x3A00, s3;
	s5 =	sadd.s32 $0x523A00, s3;
	s31 =	sshrl.u32 s6, $0x8  }
0x8: {  	[sflag:s4] =	ssyncpa.u1 $0x0;
	s6 =	sshrl.u32 s6, $0x9;
	s8 =	sand.u32 $0x1, s31  }
0x9: {  	s3 =	stileid.u32;
	[sflag:s7] =	ssyncpa.u1 $0x0;
	s6 =	sadd.s32 s6, s8  }
0xa: {  	s9 =	smov.u32 s1;
	s8 =	simm.s32 $0x80;
	s7 =	sadd.s32 $0x1, s6  }
.LBB1_4:
0xb: {  	_ = 	snop  }
0xc: {  	[tilespmem:s20+$0x1860 ss:$0x41] =	vst.msk $0xffff, v8  }
0xd: {  	[tilespmem:s20+$0x1C70 ss:$0x41] =	vst.msk $0xffff, v7  }
0xe: {  	[tilespmem:s20+$0x2490 ss:$0x41] =	vst.msk $0xffff, v1  }
0xf: {  	s23 =	sor.u32 s26, s25;
	v47 =	vld.idx.msk [tilespmem:v0+s18+$0x470 ss:$0x1], $0xffff;
	[tilespmem:s20+$0x28A0 ss:$0x41] =	vst.msk $0xffff, v2  }
0x10: {  	[tilespmem:s20+$0x2CB0 ss:$0x41] =	vst.msk $0xffff, v3;
	v57 =	vld.idx.msk [tilespmem:v0+s23+$0x410 ss:$0x1], $0xffff  }
0x11: {  	[tilespmem:s20+$0x30C0 ss:$0x41] =	vst.msk $0xffff, v4;
	v58 =	vld.idx.msk [tilespmem:v0+s23+$0x420 ss:$0x1], $0xffff  }
0x12: {  	[tilespmem:s20+$0x34D0 ss:$0x41] =	vst.msk $0xffff, v5;
	v59 =	vld.idx.msk [tilespmem:v0+s23+$0x430 ss:$0x1], $0xffff  }
0x13: {  	s27 =	sshra.s32 s21, $0x2;
	[tilespmem:s20+$0x38E0 ss:$0x41] =	vst.msk $0xffff, v6;
	v60 =	vld.idx.msk [tilespmem:v0+s23+$0x440 ss:$0x1], $0xffff  }
0x14: {  	s24 =	sand.u32 $0x3B00, s23;
	s18 =	sadd.s32 s27, s19;
	v61 =	vld.idx.msk [tilespmem:v0+s23+$0x450 ss:$0x1], $0xffff;
	[tilespmem:s20+$0x3CF0 ss:$0x41] =	vst.msk $0xffff, v47  }
0x15: {  	s22 =	sand.u32 $0x80, s22;
	v62 =	vld.idx.msk [tilespmem:v0+s23+$0x460 ss:$0x1], $0xffff;
	s17 =	sadd.s32 s24, s17;
	[tilespmem:s18+$0x2490 ss:$0x41] =	vst.msk $0xffff, v57  }
0x16: {  	v63 =	vld.idx.msk [tilespmem:v0+s23+$0x470 ss:$0x1], $0xffff;
	s17 =	sadd.s32 s22, s17;
	[tilespmem:s18+$0x28A0 ss:$0x41] =	vst.msk $0xffff, v58  }
0x17: {  	v48 =	vld [tilespmem:s17+$0x400];
	[tilespmem:s18+$0x2CB0 ss:$0x41] =	vst.msk $0xffff, v59  }
0x18: {  	v49 =	vld [tilespmem:s17+$0x0];
	[tilespmem:s18+$0x30C0 ss:$0x41] =	vst.msk $0xffff, v60  }
0x19: {  	v50 =	vld [tilespmem:s17+$0x10];
	[tilespmem:s18+$0x34D0 ss:$0x41] =	vst.msk $0xffff, v61  }
0x1a: {  	v51 =	vld [tilespmem:s17+$0x20];
	[tilespmem:s18+$0x38E0 ss:$0x41] =	vst.msk $0xffff, v62  }
0x1b: {  	v52 =	vld [tilespmem:s17+$0x30];
	[tilespmem:s18+$0x3CF0 ss:$0x41] =	vst.msk $0xffff, v63  }
0x1c: {  	v53 =	vld [tilespmem:s17+$0x40];
	[tilespmem:s18+$0x2080 ss:$0x41] =	vst.msk $0xffff, v48  }
0x1d: {  	v54 =	vld [tilespmem:s17+$0x50];
	[tilespmem:s18+$0x0 ss:$0x41] =	vst.msk $0xffff, v49  }
0x1e: {  	s15 =	sshll.u32 s15, $0x7;
	s28 =	sshll.u32 s13, $0x3;
	v55 =	vld [tilespmem:s17+$0x60];
	[tilespmem:s18+$0x410 ss:$0x41] =	vst.msk $0xffff, v50  }
0x1f: {  	s29 =	sand.u32 $0xFFC00, s15;
	v56 =	vld [tilespmem:s17+$0x70];
	s17 =	sand.u32 $0xFFC00, s28;
	[tilespmem:s18+$0x820 ss:$0x41] =	vst.msk $0xffff, v51  }
0x20: {  	s14 =	sshll.u32 s14, $0x11;
	s15 =	sand.u32 $0x380, s15;
	s17 =	sadd.s32 s17, s29;
	[tilespmem:s18+$0xC30 ss:$0x41] =	vst.msk $0xffff, v52  }
0x21: {  	s30 =	sshrl.u32 s13, $0x3;
	s31 =	sand.u32 $0x7, s13;
	s15 =	sor.u32 s15, s17;
	[tilespmem:s18+$0x1040 ss:$0x41] =	vst.msk $0xffff, v53  }
0x22: {  	s14 =	sadd.s32 s5, s14;
	s17 =	sand.u32 $0xF, s30;
	s15 =	sshrl.u32 s15, $0x3;
	[tilespmem:s18+$0x1450 ss:$0x41] =	vst.msk $0xffff, v54  }
0x23: {  	s13 =	sshll.u32 s31, $0x12;
	s14 =	sadd.s32 s17, s14;
	s15 =	sand.u32 $0x1FFF0, s15;
	[tilespmem:s18+$0x1860 ss:$0x41] =	vst.msk $0xffff, v55  }
0x24: {  	s13 =	sor.u32 $0x40, s13;
	[tilespmem:s18+$0x1C70 ss:$0x41] =	vst.msk $0xffff, v56;
	s14 =	sadd.s32 s15, s14  }
0x25: {  	[hbm4b:s14+s13] =	stream.strided.scatter [tilespmem:s16], [sflag:$0x2], $0x4000, s8, s13, $0x18;
	[tilespmem:$0x10200] =	vst v63  }
.LBB1_5:
0x26: {  	s16 =	sadd.s32 $0x200, s9  }
0x27: {  	s13 =	sadd.s32 $0x40, s10;
	s17 =	smov.u32 s10;
	p2 =	sgt.s32 s16, $0x1FFF  }
0x28: {  	s17 =	smov.u32 @p2 s13  }
0x29: {  	s19 =	smov.u32 s11;
	s13 =	sadd.s32 $0x10, s11;
	p3 =	sgt.s32 s17, $0x3F  }
0x2a: {  	s19 =	smov.u32 @p3 s13  }
0x2b: {  	s16 =	smov.u32 @p2 s1;
	p2 =	sgt.s32 s19, $0xF  }
0x2c: {  	p1 =	slt.u32 s12, $0x2;
	s19 =	smov.u32 @p2 s3;
	p2 =	sne.s32 s12, s7  }
.Ltmp1:
0x2d: {  	s18 =	simm.s32 @!p1 $0x2;
	(pc) =	sbr.rel @!p2 .LBB1_6-.Ltmp1, $4  }
0x2e: {  	s15 =	smov.u32 s9;
	s14 =	smov.u32 s11;
	_ =	swait.ge @!p1 [sflag:s18], $0x4000  }
0x2f: {  	p0 =	por !p0, !p0;
	[sflag:s18] =	ssyncset.done @!p1 $0x0;
	s9 =	smov.u32 s16  }
0x30: {  	s17 =	simm.s32 @p3 $0x0;
	s13 =	smov.u32 s10;
	[sflag:s18] =	ssyncadd.s32 @!p1 $0xFFFFC000  }
0x31: {  	s10 =	smov.u32 s17;
	s12 =	sadd.s32 $0x1, s12;
	s11 =	smov.u32 s19  }
.LBB1_1:
0x32: {  	p1 =	sge.u32 s12, s6;
	s31 =	sadd.s32 $0xFFFFFFFF, s12  }
0x33: {  	s16 =	sxor.u32 @!p1 $0xFFFFFFFF, s12;
	s17 =	sand.u32 @!p1 $0x78, s9;
	s18 =	sshll.u32 @!p1 s10, $0xD  }
0x34: {  	s19 =	sshll.u32 @!p1 s10, $0x7;
	s20 =	sshll.u32 @!p1 s9, $0x3;
	s16 =	sshll.u32 @!p1 s16, $0xE  }
0x35: {  	s18 =	sand.u32 @!p1 $0x70000, s18;
	s19 =	sand.u32 @!p1 $0x380, s19;
	s16 =	sand.u32 @!p1 $0x4000, s16  }
0x36: {  	s18 =	sadd.s32 @!p1 s18, s20;
	s20 =	sand.u32 @!p1 $0x1C00, s20;
	s17 =	sor.u32 @!p1 s19, s17  }
0x37: {  	s19 =	sshll.u32 @!p1 s11, $0x10;
	s17 =	sor.u32 @!p1 s20, s17;
	s18 =	sshrl.u32 @!p1 s18, $0x3  }
0x38: {  	s19 =	sadd.s32 @!p1 s2, s19;
	s20 =	sand.u32 @!p1 $0x7, s9;
	s18 =	sand.u32 @!p1 $0xFC00, s18  }
0x39: {  	s17 =	sshrl.u32 @!p1 s17, $0x3;
	s18 =	sadd.s32 @!p1 s18, s19;
	s19 =	sshll.u32 @!p1 s20, $0x12  }
0x3a: {  	s17 =	sadd.s32 @!p1 s17, s18;
	s18 =	sor.u32 @!p1 $0x800, s19;
	s19 =	simm.s32 @!p1 $0x10000  }
0x3b: {  	[tilespmem:s16], [sflag:$0x1] =	stream.strided.gather @!p1 [hbm4b:s17+s18], $0x4000, s19, s18, $0x38;
	[tilespmem:$0x10200] =	vst v63  }
0x3c: {  	p1 =	sge.u32 s31, s6  }
.Ltmp2:
0x3d: {  	_ = 	snop;
	(pc) =	sbr.rel @p1 .LBB1_5-.Ltmp2, $1  }
0x3e: {  	_ =	sdelay $0x3  }
0x3f: {  	s19 =	simm.s32 $0x0  }
0x40: {  	s18 =	sand.u32 $0x3800, s19;
	s20 =	sand.u32 $0x380, s19  }
0x41: {  	s16 =	sand.u32 $0x1, s12;
	s18 =	sor.u32 s20, s18  }
0x42: {  	_ =	swait.ge [sflag:s4], $0x4000;
	s17 =	sshll.u32 s16, $0xE;
	s20 =	sand.u32 $0x3B00, s18  }
0x43: {  	[sflag:s4] =	ssyncset.done $0x0;
	s19 =	sand.u32 $0x80, s19;
	s20 =	sadd.s32 s20, s17  }
0x44: {  	[sflag:s4] =	ssyncadd.s32 $0xFFFFC000;
	s22 =	sadd.s32 s19, s20  }
0x45: {  	v4 =	vld [tilespmem:s22+$0x400]  }
0x46: {  	s21 =	simm.s32 $0x1;
	v5 =	vld [tilespmem:s22+$0x0]  }
0x47: {  	s21 =	simm.s32 @!p0 $0x0;
	v6 =	vld [tilespmem:s22+$0x10]  }
0x48: {  	v0 =	vmov s17;
	s31 =	smul.u32 $0x10400, s21;
	v7 =	vld [tilespmem:s22+$0x20]  }
0x49: {  	v9 =	vld [tilespmem:s22+$0x30]  }
0x4a: {  	s19 =	sshrl.u32 s31, $0x2;
	v10 =	vld [tilespmem:s22+$0x40]  }
0x4b: {  	s19 =	sor.u32 $0x8000, s19;
	v11 =	vld [tilespmem:s22+$0x50]  }
0x4c: {  	v8 =	vld [tilespmem:s22+$0x60];
	s20 =	sadd.s32 $0x0, s19  }
0x4d: {  	v1 =	vld.idx.msk [tilespmem:v0+s18+$0x410 ss:$0x1], $0xffff;
	[tilespmem:s20+$0x2080 ss:$0x41] =	vst.msk $0xffff, v4  }
0x4e: {  	v2 =	vld.idx.msk [tilespmem:v0+s18+$0x420 ss:$0x1], $0xffff;
	[tilespmem:s20+$0x0 ss:$0x41] =	vst.msk $0xffff, v5  }
0x4f: {  	v3 =	vld.idx.msk [tilespmem:v0+s18+$0x430 ss:$0x1], $0xffff;
	[tilespmem:s20+$0x410 ss:$0x41] =	vst.msk $0xffff, v6  }
0x50: {  	s16 =	smul.u32 $0x10400, s16;
	[tilespmem:s20+$0x820 ss:$0x41] =	vst.msk $0xffff, v7;
	v7 =	vld [tilespmem:s22+$0x70]  }
0x51: {  	s23 =	simm.s32 $0x100;
	s24 =	simm.s32 $0x8;
	[tilespmem:s20+$0xC30 ss:$0x41] =	vst.msk $0xffff, v9;
	v4 =	vld.idx.msk [tilespmem:v0+s18+$0x440 ss:$0x1], $0xffff  }
0x52: {  	s25 =	sand.u32 $0x3800, s23;
	s16 =	sshrl.u32 s16, $0x2;
	[tilespmem:s20+$0x1040 ss:$0x41] =	vst.msk $0xffff, v10;
	v5 =	vld.idx.msk [tilespmem:v0+s18+$0x450 ss:$0x1], $0xffff;
	s22 =	simm.s32 $0x80  }
0x53: {  	s21 =	simm.s32 $0x4;
	s16 =	sor.u32 $0x8000, s16;
	[tilespmem:s20+$0x1450 ss:$0x41] =	vst.msk $0xffff, v11;
	v6 =	vld.idx.msk [tilespmem:v0+s18+$0x460 ss:$0x1], $0xffff;
	s26 =	sand.u32 $0x380, s22  }
.LBB1_3:
0x54: {  	p1 =	sne.s32 s24, $0xFC;
	[tilespmem:s20+$0x1860 ss:$0x41] =	vst.msk $0xffff, v8;
	v8 =	vld.idx.msk [tilespmem:v0+s18+$0x470 ss:$0x1], $0xffff;
	s18 =	sor.u32 s26, s25  }
0x55: {  	s25 =	sand.u32 $0x3B00, s18;
	v9 =	vld.idx.msk [tilespmem:v0+s18+$0x410 ss:$0x1], $0xffff;
	[tilespmem:s20+$0x1C70 ss:$0x41] =	vst.msk $0xffff, v7  }
0x56: {  	s26 =	sand.u32 $0x80, s22;
	s25 =	sadd.s32 s25, s17;
	v7 =	vld.idx.msk [tilespmem:v0+s18+$0x420 ss:$0x1], $0xffff;
	[tilespmem:s20+$0x2490 ss:$0x41] =	vst.msk $0xffff, v1  }
0x57: {  	s25 =	sadd.s32 s26, s25;
	v10 =	vld.idx.msk [tilespmem:v0+s18+$0x430 ss:$0x1], $0xffff;
	[tilespmem:s20+$0x28A0 ss:$0x41] =	vst.msk $0xffff, v2  }
0x58: {  	v11 =	vld [tilespmem:s25+$0x400];
	[tilespmem:s20+$0x2CB0 ss:$0x41] =	vst.msk $0xffff, v3  }
0x59: {  	v12 =	vld [tilespmem:s25+$0x0];
	[tilespmem:s20+$0x30C0 ss:$0x41] =	vst.msk $0xffff, v4  }
0x5a: {  	v4 =	vld [tilespmem:s25+$0x10];
	[tilespmem:s20+$0x34D0 ss:$0x41] =	vst.msk $0xffff, v5  }
0x5b: {  	s26 =	sshra.s32 s21, $0x2;
	s21 =	smov.u32 s24;
	v1 =	vmov v9;
	v5 =	vld [tilespmem:s25+$0x20];
	[tilespmem:s20+$0x38E0 ss:$0x41] =	vst.msk $0xffff, v6  }
0x5c: {  	v2 =	vmov v7;
	v6 =	vld [tilespmem:s25+$0x30];
	[tilespmem:s20+$0x3CF0 ss:$0x41] =	vst.msk $0xffff, v8;
	s20 =	sadd.s32 s26, s19  }
0x5d: {  	v3 =	vmov v10;
	v9 =	vld [tilespmem:s25+$0x40];
	[tilespmem:s20+$0x2080 ss:$0x41] =	vst.msk $0xffff, v11  }
0x5e: {  	[tilespmem:s20+$0x0 ss:$0x41] =	vst.msk $0xffff, v12;
	v10 =	vld [tilespmem:s25+$0x50]  }
.Ltmp3:
0x5f: {  	[tilespmem:s20+$0x410 ss:$0x41] =	vst.msk $0xffff, v4;
	v8 =	vld [tilespmem:s25+$0x60];
	(pc) =	sbr.rel @p1 .LBB1_3-.Ltmp3, $4  }
0x60: {  	[tilespmem:s20+$0x820 ss:$0x41] =	vst.msk $0xffff, v5;
	v7 =	vld [tilespmem:s25+$0x70]  }
0x61: {  	[tilespmem:s20+$0xC30 ss:$0x41] =	vst.msk $0xffff, v6;
	v4 =	vld.idx.msk [tilespmem:v0+s18+$0x440 ss:$0x1], $0xffff  }
0x62: {  	s22 =	sadd.s32 $0x80, s22;
	s23 =	sadd.s32 $0x100, s23;
	[tilespmem:s20+$0x1040 ss:$0x41] =	vst.msk $0xffff, v9;
	v5 =	vld.idx.msk [tilespmem:v0+s18+$0x450 ss:$0x1], $0xffff  }
0x63: {  	s24 =	sadd.s32 $0x4, s24;
	s26 =	sand.u32 $0x380, s22;
	s25 =	sand.u32 $0x3800, s23;
	[tilespmem:s20+$0x1450 ss:$0x41] =	vst.msk $0xffff, v10;
	v6 =	vld.idx.msk [tilespmem:v0+s18+$0x460 ss:$0x1], $0xffff  }
.Ltmp4:
0x64: {  	_ = 	snop;
	(pc) =	sbr.rel .LBB1_4-.Ltmp4, $1  }
0x65: {  	_ =	sdelay $0x3  }
.LBB1_6:
0x66: {  	_ =	sfence.sel $0x180000  }
0x67: {  	s1 =	simm.s32 $0x1;
	[bflag:$0x0] =	sbarrier.arrive $0xFFFF  }
0x68: {  	s31 =	simm.s32 $0x2;
	[sflag:s1] =	ssyncpa.u1 $0x1  }
0x69: {  	[sflag:s31] =	ssyncpa.u1 $0x1  }
0x6a: {  	p0 =	sne.s32 s3, $0x0;
	_ =	strace $0x9000004A  }
0x6b: {  	s0 =	sadd.s32 @!p0 $0x100000, s0;
	[bflag:$0x2] =	sbarrier.arrive $0xFFFF  }
0x6c: {  	[sflag:s0] =	ssyncadd.tile.s32 @!p0 $0x1;
	_ =	shalt  }
.Lfunc_end1:
_tile_overlayer_lowered:
.L_overlay_start_2:
0x6d: {  	(tag) =	ssettag $0x2  }
0x6e: {  	s0 =	rddreg [dreg:$0x0];
	s2 =	stileid.u32  }
0x6f: {  	s1 =	rddreg [dreg:$0x1];
	p0 =	sne.s32 s2, $0x0  }
0x70: {  	s3 =	rddreg [dreg:$0x2];
	[bflag:$0x3] =	sbarrier.arrive $0xFFFF;
	s2 =	simm.s32 @!p0 $0x1C01  }
0x71: {  	[timem:s3], [sflag:s2] =	dma.local @!p0 [hbm:s0], s1  }
0x72: {  	s0 =	simm.s32 @!p0 $0x1  }
0x73: {  	_ =	swait.ge @!p0 [sflag:s0], s1  }
0x74: {  	s1 =	ssub.s32 @!p0 $0x0, s1;
	[sflag:s0] =	ssyncset.done @!p0 $0x0  }
0x75: {  	[sflag:s0] =	ssyncadd.s32 @!p0 s1  }
0x76: {  	[bflag:$0x3] =	sbarrier.arrive $0xFFFF  }
0x77: {  	_ =	shalt  }

// kernel: sparse-core-data-format-call.cloned.1.call-start
scs
called_computation_lowered:
.L_overlay_start_0:
0x0: {  	s2 =	sld [smem:$0x3FD9]  }
0x1: {  	s3 =	sld [smem:$0x3FFE];
	_ =	sdelay $0x1  }
0x2: {  	s1 =	srdreg.scid  }
0x3: {  	s0 =	sand.u32 $0x1, s1  }
0x4: {  	s15 =	sshll.u32 s0, $0xA;
	s2 =	sadd.s32 s3, s2  }
0x5: {  	s2 =	sadd.s32 s2, s15  }
0x6: {  	[smem:$0x3FB5] =	sst s2  }
0x7: {  	_ = 	snop  }
0x8: {  	s2 =	sld [smem:$0x3FD0];
	_ =	sdelay $0x2  }
0x9: {  	s16 =	simm.s32 $0xC;
	s4 =	simm.s32 $0x10  }
0xa: {  	[smem:s4], [sflag:s16] =	dma.local [hbm:s2], $0x1  }
0xb: {  	_ =	swait.eq [sflag:s16], $0x1  }
0xc: {  	[sflag:s16] =	ssyncset.done $0x0  }
0xd: {  	[sflag:s16] =	ssyncadd.s32 $0xFFFFFFFF  }
0xe: {  	s17 =	sld [smem:$0x12];
	(tm) =	ssettm $0x1  }
0xf: {  	s18 =	sld [smem:$0x3FFB];
	_ =	sdelay $0x3  }
0x10: {  	_ =	strace s18  }
0x11: {  	s3 =	sld [smem:$0x3FFC];
	_ =	sdelay $0x3  }
0x12: {  	_ =	strace s3  }
0x13: {  	s3 =	sld [smem:$0x3FFD];
	_ =	sdelay $0x3  }
0x14: {  	_ =	strace s3  }
0x15: {  	_ =	strace $0x8FFFFFFF  }
0x16: {  	s19 =	sld [smem:$0x3FDB];
	_ =	sdelay $0x1  }
0x17: {  	s20 =	simm.s32 $_scs_section_size  }
0x18: {  	s5 =	simm.s32 $_size__tile_overlayer_lowered;
	s6 =	simm.s32 $_tile_overlayer_lowered  }
0x19: {  	s23 =	simm.s32 $0x1BFF;
	s22 =	sshll.u32 s6, $0x1;
	s3 =	sadd.s32 s20, s19  }
0x1a: {  	s7 =	simm.s32 $0x0;
	s21 =	sshll.u32 s5, $0x1;
	s5 =	sadd.s32 s22, s3  }
0x1b: {  	[timem:s7], [sflag:s23] =	dma.local [hbm:s5], s21  }
0x1c: {  	_ =	swait.ge [sflag:s23], s21  }
0x1d: {  	s4 =	ssub.s32 $0x0, s21;
	[sflag:s23] =	ssyncset.done $0x0  }
0x1e: {  	[sflag:s23] =	ssyncadd.s32 s4;
	_ =	sdelay $0x1  }
0x1f: {  	s24 =	simm.s32 $0x1B8B  }
0x20: {  	_ =	swait.ge [sflag:s24], $0x1  }
0x21: {  	[sflag:s24] =	ssyncset.done $0x0  }
0x22: {  	s26 =	simm.s32 $0x1B8E;
	s25 =	sld [smem:$0x3FFE];
	[sflag:s24] =	ssyncadd.s32 $0xFFFFFFFF  }
0x23: {  	s27 =	simm.s32 $execute0_lowered;
	[smem:$0x3FD2] =	sst s26  }
0x24: {  	s5 =	sshll.u32 s27, $0x1;
	_ =	strace $0x8000004F;
	[dreg:$0x1] =	wrdreg $0xFFFFFFFF  }
0x25: {  	s28 =	simm.s32 $_size_execute0_lowered;
	s3 =	sadd.s32 s3, s5;
	[dreg:$0x0] =	wrdreg $0x0  }
0x26: {  	s5 =	sshll.u32 s28, $0x1;
	[dreg:$0x2] =	wrdreg s3  }
0x27: {  	[dreg:$0x3] =	wrdreg s5  }
0x28: {  	[dreg:$0x4] =	wrdreg $0xC0  }
0x29: {  	_ =	task [dreg:s7], $0x5FFFF  }
0x2a: {  	[dreg:$0x1] =	wrdreg $0xFFFFFFFF  }
0x2b: {  	[dreg:$0x0] =	wrdreg $0x60  }
0x2c: {  	[dreg:$0x2] =	wrdreg s25  }
0x2d: {  	[dreg:$0x3] =	wrdreg s17  }
0x2e: {  	[dreg:$0x4] =	wrdreg $0x9  }
0x2f: {  	_ =	task.clear_ibuf [dreg:s7], $0x5FFFF;
	_ =	strace $0x9000004F  }
0x30: {  	s29 =	simm.s32 $0x9;
	_ =	strace $0x80000051  }
0x31: {  	_ =	swait.ge [sflag:s29], $0x1  }
0x32: {  	[sflag:s29] =	ssyncadd.s32 $0xFFFFFFFF  }
0x33: {  	_ =	strace $0x90000051  }
0x34: {  	_ =	sfence  }
0x35: {  	s30 =	sld [smem:$0x0];
	_ =	sdelay $0x2  }
0x36: {  	s31 =	sshll.u32 s1, $0xD;
	s1 =	sshrl.u32 s1, $0x2  }
0x37: {  	s3 =	sand.u32 $0x4000, s31;
	s1 =	sadd.s32 s1, s30  }
0x38: {  	s0 =	sor.u32 s3, s0;
	s1 =	sshll.u32 s1, $0x11  }
0x39: {  	s0 =	sor.u32 s1, s0  }
0x3a: {  	s0 =	sadd.s32 $0x8F2B, s0  }
0x3b: {  	[sflag:s0] =	ssyncadd.remote.s32 $0x1  }
0x3c: {  	_ =	sfence.sel $0xFFFF  }
0x3d: {  	[dreg:$0x0] =	wrdreg $0xFFFFFFFF;
	(pc) =	sbr.abs _section_cstart, $3  }
0x3e: {  	[dreg:$0x1] =	wrdreg $0xFFFFFFFF  }
0x3f: {  	_ =	task.clear_ibuf [dreg:s7], $0x2FFFF;
	_ =	strace $0x9FFFFFFF  }
0x40: {  	(tm) =	ssettm $0x7FFFFFFF  }
0x41: {  	_ =	shalt  }
tec
execute0_lowered:
.L_overlay_start_1:
0x0: {  	(tag) =	ssettag $0x1  }
0x1: {  	s8 =	rddreg [dreg:$0x0]  }
0x2: {  	s0 =	stileid.u32;
	s1 =	srdreg.scid  }
0x3: {  	s2 =	rddreg [dreg:$0x1];
	s31 =	simm.s32 $0x2;
	s14 =	simm.s32 $0x0  }
0x4: {  	s15 =	simm.s32 $0x0;
	s13 =	simm.s32 $0x0;
	s3 =	sshll.u32 s0, $0x1  }
0x5: {  	s4 =	sshll.u32 s0, $0x4;
	s1 =	sshll.u32 s1, $0x8;
	s3 =	sand.u32 $0xE, s3  }
0x6: {  	s4 =	sor.u32 s4, s1;
	s1 =	rddreg [dreg:$0x2];
	_ =	strace $0x80000050  }
0x7: {  	s4 =	sand.u32 $0x180, s4;
	s5 =	ssub.s32 $0x10, s3;
	s12 =	smov.u32 s3  }
0x8: {  	s6 =	sand.u32 $0xE, s5;
	s7 =	ssub.s32 $0x2000, s4;
	s10 =	sshrl.u32 s5, $0x4  }
0x9: {  	p0 =	sne.s32 s6, $0x0;
	s6 =	simm.s32 $0x1;
	s9 =	sand.u32 $0x180, s7  }
0xa: {  	s6 =	simm.s32 @!p0 $0x0;
	p0 =	sne.s32 s9, $0x0;
	s9 =	simm.s32 $0x1  }
.Ltmp0:
0xb: {  	s7 =	sshrl.u32 s7, $0x9;
	s9 =	simm.s32 @!p0 $0x0;
	(pc) =	sbr.rel .LBB1_1-.Ltmp0, $4  }
0xc: {  	s5 =	simm.s32 $0x1;
	s6 =	sadd.s32 s6, s10;
	s7 =	sadd.s32 s9, s7  }
0xd: {  	s11 =	smov.u32 s4;
	[sflag:s5] =	ssyncpa.u1 $0x0;
	s6 =	smul.u32 s6, s7  }
0xe: {  	[sflag:s31] =	ssyncpa.u1 $0x0;
	p0 =	por $0x0, $0x0;
	s10 =	simm.s32 $0x10000  }
0xf: {  	s7 =	sadd.s32 $0x3A00, s8;
	s8 =	sadd.s32 $0x23A00, s8;
	s9 =	sadd.s32 $0x1, s6  }
.LBB1_7:
0x10: {  	s16 =	sadd.s32 $0x200, s11  }
0x11: {  	s14 =	sadd.s32 $0x10, s12;
	s18 =	smov.u32 s12;
	p2 =	sgt.s32 s16, $0x1FFF  }
0x12: {  	s18 =	smov.u32 @p2 s14  }
0x13: {  	s16 =	smov.u32 @p2 s4;
	p2 =	sgt.s32 s18, $0xF  }
0x14: {  	s18 =	smov.u32 @p2 s3;
	p2 =	sne.s32 s13, s9  }
.Ltmp1:
0x15: {  	p1 =	slt.u32 s13, $0x2;
	(pc) =	sbr.rel @!p2 .LBB1_8-.Ltmp1, $4  }
0x16: {  	s17 =	simm.s32 @!p1 $0x2  }
0x17: {  	s15 =	smov.u32 s12;
	p0 =	por !p0, !p0;
	_ =	swait.ge @!p1 [sflag:s17], $0x4000  }
0x18: {  	s14 =	smov.u32 s11;
	[sflag:s17] =	ssyncset.done @!p1 $0x0;
	s11 =	smov.u32 s16  }
0x19: {  	s13 =	sadd.s32 $0x1, s13;
	[sflag:s17] =	ssyncadd.s32 @!p1 $0xFFFFC000;
	s12 =	smov.u32 s18  }
.LBB1_1:
0x1a: {  	p1 =	sge.u32 s13, s6  }
0x1b: {  	s16 =	sxor.u32 @!p1 $0xFFFFFFFF, s13;
	s17 =	sshll.u32 @!p1 s12, $0x11  }
0x1c: {  	s18 =	sshll.u32 @!p1 s11, $0x4;
	s20 =	simm.s32 @!p1 $0x40;
	s21 =	simm.s32 @!p1 $0x80  }
0x1d: {  	s16 =	sshll.u32 @!p1 s16, $0xE;
	s18 =	sand.u32 @!p1 $0x1FFF0, s18;
	s19 =	sadd.s32 @!p1 s7, s17  }
0x1e: {  	s17 =	sadd.s32 @!p1 s17, s8;
	s16 =	sand.u32 @!p1 $0x4000, s16;
	s19 =	sadd.s32 @!p1 s18, s19  }
0x1f: {  	[tilespmem:s16], [sflag:$0x1] =	stream.strided.gather @!p1 [hbm4b:s19+s20], $0x2000, s21, s20, $0x38;
	[tilespmem:$0x10100] =	vst v63  }
0x20: {  	s31 =	sadd.s32 $0xFFFFFFFF, s13;
	s17 =	sadd.s32 @!p1 s18, s17;
	s16 =	sor.u32 @!p1 $0x2000, s16  }
0x21: {  	[tilespmem:s16], [sflag:$0x1] =	stream.strided.gather @!p1 [hbm4b:s17+s20], $0x2000, s21, s20, $0x38;
	[tilespmem:$0x10100] =	vst v63  }
0x22: {  	p1 =	sge.u32 s31, s6  }
.Ltmp2:
0x23: {  	_ = 	snop;
	(pc) =	sbr.rel @p1 .LBB1_7-.Ltmp2, $1  }
0x24: {  	_ =	sdelay $0x3  }
0x25: {  	s16 =	simm.s32 $0x1;
	s18 =	sand.u32 $0x1, s13  }
0x26: {  	_ =	swait.ge [sflag:s5], $0x4000;
	s16 =	simm.s32 @!p0 $0x0;
	s18 =	smul.u32 $0x10200, s18  }
0x27: {  	p2 =	por $0x1, $0x1;
	[sflag:s5] =	ssyncset.done $0x0;
	s17 =	smul.u32 $0x10200, s16  }
0x28: {  	s19 =	sshll.u32 s16, $0x10;
	[sflag:s5] =	ssyncadd.s32 $0xFFFFC000;
	s30 =	sshrl.u32 s18, $0x2  }
0x29: {  	s31 =	sshrl.u32 s19, $0x2;
	s19 =	simm.s32 $0x0;
	s17 =	sshrl.u32 s17, $0x2  }
0x2a: {  	s16 =	sor.u32 $0x8000, s30;
	s18 =	sadd.s32 $0x20, s31;
	s17 =	sor.u32 $0x8000, s17  }
.LBB1_3:
0x2b: {  	s20 =	sshll.u32 s19, $0xD  }
0x2c: {  	s20 =	sand.u32 $0x3FFFE000, s20  }
0x2d: {  	s22 =	sadd.s32 s20, s18  }
0x2e: {  	s31 =	smul.u32 $0x8100, s19;
	v3 =	vld [tilespmem:s22+$0x10]  }
0x2f: {  	v1 =	vld [tilespmem:s22+$0xFFFFFFF0]  }
0x30: {  	s19 =	sshra.s32 s31, $0x2;
	v0 =	vld [tilespmem:s22+$0x0]  }
0x31: {  	s19 =	sadd.s32 s19, s17;
	v2 =	vld [tilespmem:s22+$0xFFFFFFE0]  }
0x32: {  	s20 =	sadd.s32 $0x0, s19  }
0x33: {  	p1 =	por p2, p2;
	s21 =	simm.s32 $0x4;
	s22 =	sadd.s32 $0x40, s22;
	[tilespmem:s20+$0x1830 ss:$0x81] =	vst.msk $0xffff, v3  }
.LBB1_4:
0x34: {  	v3 =	vld [tilespmem:s22+$0x10];
	p2 =	sne.s32 s21, $0x1FC;
	[tilespmem:s20+$0x810 ss:$0x81] =	vst.msk $0xffff, v1;
	s23 =	smov.u32 s21;
	s21 =	sadd.s32 $0x4, s21  }
.Ltmp3:
0x35: {  	v1 =	vld [tilespmem:s22+$0xFFFFFFF0];
	[tilespmem:s20+$0x1020 ss:$0x81] =	vst.msk $0xffff, v0;
	(pc) =	sbr.rel @p2 .LBB1_4-.Ltmp3, $4  }
0x36: {  	v0 =	vld [tilespmem:s22+$0x0];
	[tilespmem:s20+$0x0 ss:$0x81] =	vst.msk $0xffff, v2  }
0x37: {  	s20 =	sshra.s32 s23, $0x2;
	v2 =	vld [tilespmem:s22+$0xFFFFFFE0]  }
0x38: {  	s20 =	sadd.s32 s20, s19  }
0x39: {  	s22 =	sadd.s32 $0x40, s22;
	[tilespmem:s20+$0x1830 ss:$0x81] =	vst.msk $0xffff, v3  }
.Ltmp4:
0x3a: {  	(pc) =	sbr.rel @p1 .LBB1_3-.Ltmp4, $4  }
0x3b: {  	_ = 	snop  }
0x3c: {  	[tilespmem:s20+$0x810 ss:$0x81] =	vst.msk $0xffff, v1  }
0x3d: {  	[tilespmem:s20+$0x1020 ss:$0x81] =	vst.msk $0xffff, v0  }
0x3e: {  	s19 =	simm.s32 $0x1;
	p2 =	por $0x0, $0x0;
	[tilespmem:s20+$0x0 ss:$0x81] =	vst.msk $0xffff, v2  }
0x3f: {  	s17 =	sshll.u32 s14, $0x3;
	s18 =	sand.u32 $0x78, s14;
	s15 =	sshll.u32 s15, $0x10  }
.Ltmp5:
0x40: {  	s30 =	sand.u32 $0xFC00, s14;
	s17 =	sand.u32 $0x1C00, s17;
	(pc) =	sbr.rel .LBB1_7-.Ltmp5, $4  }
0x41: {  	s31 =	sand.u32 $0x7, s14;
	s15 =	sadd.s32 s2, s15;
	s17 =	sor.u32 s18, s17  }
0x42: {  	s14 =	sshll.u32 s31, $0x12;
	s15 =	sadd.s32 s30, s15;
	s17 =	sshrl.u32 s17, $0x3  }
0x43: {  	s14 =	sor.u32 $0x400, s14;
	s15 =	sadd.s32 s17, s15  }
0x44: {  	[hbm4b:s15+s14] =	stream.strided.scatter [tilespmem:s16], [sflag:$0x2], $0x4000, s10, s14, $0x20;
	[tilespmem:$0x10100] =	vst v63  }
.LBB1_8:
0x45: {  	_ =	sfence.sel $0x180000  }
0x46: {  	s2 =	simm.s32 $0x1;
	[bflag:$0x0] =	sbarrier.arrive $0xFFFF  }
0x47: {  	s31 =	simm.s32 $0x2;
	[sflag:s2] =	ssyncpa.u1 $0x1  }
0x48: {  	[sflag:s31] =	ssyncpa.u1 $0x1  }
0x49: {  	p0 =	sne.s32 s0, $0x0;
	_ =	strace $0x90000050  }
0x4a: {  	s0 =	sadd.s32 @!p0 $0x100000, s1;
	[bflag:$0x2] =	sbarrier.arrive $0xFFFF  }
0x4b: {  	[sflag:s0] =	ssyncadd.tile.s32 @!p0 $0x1;
	_ =	shalt  }
.Lfunc_end1:
_tile_overlayer_lowered:
.L_overlay_start_2:
0x4c: {  	(tag) =	ssettag $0x2  }
0x4d: {  	s0 =	rddreg [dreg:$0x0];
	s2 =	stileid.u32  }
0x4e: {  	s1 =	rddreg [dreg:$0x1];
	p0 =	sne.s32 s2, $0x0  }
0x4f: {  	s3 =	rddreg [dreg:$0x2];
	[bflag:$0x3] =	sbarrier.arrive $0xFFFF;
	s2 =	simm.s32 @!p0 $0x1C01  }
0x50: {  	[timem:s3], [sflag:s2] =	dma.local @!p0 [hbm:s0], s1  }
0x51: {  	s0 =	simm.s32 @!p0 $0x1  }
0x52: {  	_ =	swait.ge @!p0 [sflag:s0], s1  }
0x53: {  	s1 =	ssub.s32 @!p0 $0x0, s1;
	[sflag:s0] =	ssyncset.done @!p0 $0x0  }
0x54: {  	[sflag:s0] =	ssyncadd.s32 @!p0 s1  }
0x55: {  	[bflag:$0x3] =	sbarrier.arrive $0xFFFF  }
0x56: {  	_ =	shalt  }

</sc_bundles>
